<compile_context>
chip_gen: v7x
topology: tpu7x:2x2x1
jax: 0.10.2.dev20260603
libtpu: 0.0.44.dev20260713+nightly
codegen_flags: <defaults>
</compile_context>

<pallas_src>
import functools

import jax
import jax.numpy as jnp
from jax import lax
from jax.experimental import pallas as pl
from jax.experimental.pallas import tpu as pltpu
from jax.experimental.pallas import tpu_sc as plsc

N = 16384
K = 8192
D = 256
TN = 256

NC = 2
NS = 16
NW = NC * NS
BPW = N // NW
CB = 64
NCH = BPW // CB
LANES = 16


WCH = 1024
NCHK = K // WCH


def _argmin_body(z_ref, w_ref, out_ref, wsq_ref, iota_ref):
    i = pl.program_id(0)

    @pl.when(i == 0)
    def _():
        w = w_ref[...]
        wsq_ref[...] = jnp.sum(w * w, axis=1)[None, :]
        iota_ref[...] = lax.broadcasted_iota(jnp.int32, (1, K), 1).astype(jnp.float32)

    z = z_ref[...]
    zsq = jnp.sum(z * z, axis=1, keepdims=True)
    mm = lax.dot_general(z, w_ref[...], (((1,), (1,)), ((), ())),
                         preferred_element_type=jnp.float32)
    d = (zsq + wsq_ref[...]) - 2.0 * mm
    mins = jnp.min(d, axis=1, keepdims=True)
    cand = jnp.where(d == mins, iota_ref[...], jnp.float32(K))
    out_ref[...] = jnp.min(cand, axis=1).astype(jnp.int32).reshape(1, 1, TN)


def _argmin_call(z_e, W):
    out = pl.pallas_call(
        _argmin_body,
        grid=(N // TN,),
        in_specs=[
            pl.BlockSpec((TN, D), lambda i: (i, 0)),
            pl.BlockSpec((K, D), lambda i: (0, 0)),
        ],
        out_specs=pl.BlockSpec((1, 1, TN), lambda i: (i, 0, 0)),
        out_shape=jax.ShapeDtypeStruct((N // TN, 1, TN), jnp.int32),
        scratch_shapes=[pltpu.VMEM((1, K), jnp.float32),
                        pltpu.VMEM((1, K), jnp.float32)],
    )(z_e, W)
    return out.reshape(N)


@functools.cache
def _build_gather_loss():
    mesh = plsc.VectorSubcoreMesh(core_axis_name="c", subcore_axis_name="s",
                                  num_cores=NC, num_subcores=NS)

    @functools.partial(
        pl.kernel,
        out_type=(
            jax.ShapeDtypeStruct((N, D), jnp.float32),
            jax.ShapeDtypeStruct((NW, LANES), jnp.float32),
        ),
        mesh=mesh,
        scratch_types=[
            pltpu.VMEM((CB,), jnp.int32),
            pltpu.VMEM((CB, D), jnp.float32),
            pltpu.VMEM((CB, D), jnp.float32),
            pltpu.VMEM((LANES,), jnp.float32),
            pltpu.SemaphoreType.DMA,
        ],
    )
    def _gather_loss(w_hbm, idx_hbm, ze_hbm, zq_hbm, loss_hbm,
                     idx_v, rows_v, ze_v, acc_v, sem):
        wid = lax.axis_index("s") * NC + lax.axis_index("c")

        def chunk(ci, acc):
            base = wid * BPW + ci * CB
            pltpu.sync_copy(idx_hbm.at[pl.ds(base, CB)], idx_v)
            cp = pltpu.async_copy(w_hbm.at[idx_v], rows_v, sem)
            pltpu.sync_copy(ze_hbm.at[pl.ds(base, CB)], ze_v)
            cp.wait()

            def row(r, a):
                for c in range(D // LANES):
                    sl = pl.ds(c * LANES, LANES)
                    ze = ze_v[r, sl]
                    dlt = rows_v[r, sl] - ze
                    a = a + dlt * dlt
                    rows_v[r, sl] = ze + dlt
                return a

            acc = lax.fori_loop(0, CB, row, acc)
            pltpu.sync_copy(rows_v, zq_hbm.at[pl.ds(base, CB)])
            return acc

        acc = lax.fori_loop(0, NCH, chunk, jnp.zeros((LANES,), jnp.float32))
        acc_v[...] = acc
        pltpu.sync_copy(acc_v, loss_hbm.at[wid])

    return _gather_loss


def kernel(z_e, W):
    indices = _argmin_call(z_e, W)
    z_q_st, loss_parts = _build_gather_loss()(W, indices, z_e)
    m = jnp.sum(loss_parts) / jnp.float32(N * D)
    vq_loss = m + 0.25 * m
    return (z_q_st, vq_loss, indices)

# --- scband reference (transcript-rebuilt; emitter-appended) ---
"""Pipeline reference for scband-vector-quantizer-69131793596563 (READ-ONLY COPY).

The authoritative reference and input builder live on the scoring server;
editing this copy changes nothing except your own understanding.
"""

import jax, jax.numpy as jnp
import numpy as np

NUM_EMBEDDINGS = 8192
EMBEDDING_DIM = 256
COMMITMENT_COST = 0.25


def setup_inputs(seed: int = 0) -> dict:
    key = jax.random.key(seed)
    k1, k2 = jax.random.split(key)
    z_e = jax.random.normal(k1, (16384, EMBEDDING_DIM), dtype=jnp.float32)
    # embedding initialized uniform(-1/K, 1/K) as in the torch module
    W = jax.random.uniform(k2, (NUM_EMBEDDINGS, EMBEDDING_DIM), dtype=jnp.float32,
                           minval=-1.0 / NUM_EMBEDDINGS, maxval=1.0 / NUM_EMBEDDINGS)
    return {"z_e": z_e, "W": W}


def reference(z_e, W):
    # distances[n, k] = ||z_e[n]||^2 + ||W[k]||^2 - 2 z_e[n] . W[k]
    distances = (jnp.sum(z_e ** 2, axis=1, keepdims=True)
                 + jnp.sum(W ** 2, axis=1)
                 - 2.0 * (z_e @ W.T))
    encoding_indices = jnp.argmin(distances, axis=1)
    z_q = jnp.take(W, encoding_indices, axis=0)
    # eval mode: no EMA update
    codebook_loss = jnp.mean((jax.lax.stop_gradient(z_q) - z_e) ** 2)
    commitment_loss = jnp.mean((z_q - jax.lax.stop_gradient(z_e)) ** 2)
    vq_loss = codebook_loss + COMMITMENT_COST * commitment_loss
    # straight-through estimator
    z_q_st = z_e + jax.lax.stop_gradient(z_q - z_e)
    return (z_q_st, vq_loss, encoding_indices)

if __name__ == "__main__":
    import jax
    _d = setup_inputs()
    print(jax.jit(kernel)(*tuple(_d.values())))

</pallas_src>

<mosaic_0001>
#map = affine_map<(d0, d1) -> (0, 0)>
#map1 = affine_map<(d0, d1) -> (0)>
module attributes {stable_mosaic.version = 14 : i64} {
  func.func @_gather_loss(%arg0: i32, %arg1: i32, %arg2: memref<8192x256xf32, #tpu.memory_space<hbm>>, %arg3: memref<16384xi32, #tpu.memory_space<hbm>>, %arg4: memref<16384x256xf32, #tpu.memory_space<hbm>>, %arg5: memref<16384x256xf32, #tpu.memory_space<hbm>>, %arg6: memref<32x16xf32, #tpu.memory_space<hbm>>, %arg7: memref<64xi32, #tpu.memory_space<vmem>>, %arg8: memref<64x256xf32, #tpu.memory_space<vmem>>, %arg9: memref<64x256xf32, #tpu.memory_space<vmem>>, %arg10: memref<16xf32, #tpu.memory_space<vmem>>, %arg11: memref<!tpu.dma_semaphore, #tpu.memory_space<semaphore_mem>>) attributes {dimension_semantics = [#tpu.dimension_semantics<core_parallel>, #tpu.dimension_semantics<subcore_parallel>], iteration_bounds = array<i64: 2, 16>, scalar_prefetch = 0 : i64, scratch_operands = 5 : i64, tpu.core_type = #tpu.core_type<sc_vector_subcore>, window_params = [{transform_indices = #map}, {transform_indices = #map1}, {transform_indices = #map}, {transform_indices = #map}, {transform_indices = #map}]} {
    %mul3A = arith.constant 2 : i32
    %mul3A_0 = arith.muli %arg1, %mul3A : i32
    %add3A = arith.addi %mul3A_0, %arg0 : i32
    %broadcast_in_dim3A = arith.constant 0.000000e+00 : f32
    %broadcast_in_dim3A_1 = vector.broadcast %broadcast_in_dim3A : f32 to vector<16xf32>
    %scan3A = arith.constant 0 : i32
    %scan3A_2 = arith.constant 8 : i32
    %scan3A_3 = arith.addi %scan3A, %scan3A_2 : i32
    %scan3A_4 = arith.constant 1 : i32
    %scan3A_5 = scf.for %scan3A_10 = %scan3A to %scan3A_3 step %scan3A_4 iter_args(%scan3A_11 = %broadcast_in_dim3A_1) -> (vector<16xf32>)  : i32 {
      %mul3A_12 = arith.constant 512 : i32
      %mul3A_13 = arith.muli %add3A, %mul3A_12 : i32
      %mul3A_14 = arith.constant 64 : i32
      %mul3A_15 = arith.muli %scan3A_10, %mul3A_14 : i32
      %add3A_16 = arith.addi %mul3A_13, %mul3A_15 : i32
      "tpu.region"() ({
        %run_scoped3A = tpu.sem_alloc : memref<!tpu.dma_semaphore, #tpu.memory_space<semaphore_mem>>
        %dma_start3A_27 = tpu.memref_slice %arg3[%add3A_16] : memref<16384xi32, #tpu.memory_space<hbm>> -> memref<64xi32, #tpu.memory_space<hbm>>
        %dma_start3A_28 = tpu.memref_slice %arg3[%add3A_16] : memref<16384xi32, #tpu.memory_space<hbm>> -> memref<64xi32, #tpu.memory_space<hbm>>
        tpu.enqueue_dma source(%dma_start3A_28 : memref<64xi32, #tpu.memory_space<hbm>>) target(%arg7 : memref<64xi32, #tpu.memory_space<vmem>>) target_semaphore(%run_scoped3A : memref<!tpu.dma_semaphore, #tpu.memory_space<semaphore_mem>>)
        %dma_wait3A_29 = tpu.memref_slice %arg3[%add3A_16] : memref<16384xi32, #tpu.memory_space<hbm>> -> memref<64xi32, #tpu.memory_space<hbm>>
        %dma_wait3A_30 = tpu.memref_slice %arg3[%add3A_16] : memref<16384xi32, #tpu.memory_space<hbm>> -> memref<64xi32, #tpu.memory_space<hbm>>
        tpu.wait_dma2 semaphore(%run_scoped3A : memref<!tpu.dma_semaphore, #tpu.memory_space<semaphore_mem>>) src(%dma_wait3A_30 : memref<64xi32, #tpu.memory_space<hbm>>) dst(%arg7 : memref<64xi32, #tpu.memory_space<vmem>>)
        tpu.yield
      }) : () -> ()
      %dma_start3A = arith.constant 0 : i32
      %dma_start3A_17 = arith.constant 0 : i32
      %dma_start3A_18 = tpu.memref_slice %arg2[%dma_start3A, %dma_start3A_17] : memref<8192x256xf32, #tpu.memory_space<hbm>> -> memref<8192x256xf32, #tpu.memory_space<hbm>>
      tpu.enqueue_indirect_dma source(%dma_start3A_18 : memref<8192x256xf32, #tpu.memory_space<hbm>>) target(%arg8 : memref<64x256xf32, #tpu.memory_space<vmem>>) offsets(%arg7 : memref<64xi32, #tpu.memory_space<vmem>>) semaphore(%arg11 : memref<!tpu.dma_semaphore, #tpu.memory_space<semaphore_mem>>)
      "tpu.region"() ({
        %run_scoped3A = tpu.sem_alloc : memref<!tpu.dma_semaphore, #tpu.memory_space<semaphore_mem>>
        %dma_start3A_27 = arith.constant 0 : i32
        %dma_start3A_28 = tpu.memref_slice %arg4[%add3A_16, %dma_start3A_27] : memref<16384x256xf32, #tpu.memory_space<hbm>> -> memref<64x256xf32, #tpu.memory_space<hbm>>
        %dma_start3A_29 = arith.constant 0 : i32
        %dma_start3A_30 = tpu.memref_slice %arg4[%add3A_16, %dma_start3A_29] : memref<16384x256xf32, #tpu.memory_space<hbm>> -> memref<64x256xf32, #tpu.memory_space<hbm>>
        tpu.enqueue_dma source(%dma_start3A_30 : memref<64x256xf32, #tpu.memory_space<hbm>>) target(%arg9 : memref<64x256xf32, #tpu.memory_space<vmem>>) target_semaphore(%run_scoped3A : memref<!tpu.dma_semaphore, #tpu.memory_space<semaphore_mem>>)
        %dma_wait3A_31 = arith.constant 0 : i32
        %dma_wait3A_32 = tpu.memref_slice %arg4[%add3A_16, %dma_wait3A_31] : memref<16384x256xf32, #tpu.memory_space<hbm>> -> memref<64x256xf32, #tpu.memory_space<hbm>>
        %dma_wait3A_33 = arith.constant 0 : i32
        %dma_wait3A_34 = tpu.memref_slice %arg4[%add3A_16, %dma_wait3A_33] : memref<16384x256xf32, #tpu.memory_space<hbm>> -> memref<64x256xf32, #tpu.memory_space<hbm>>
        tpu.wait_dma2 semaphore(%run_scoped3A : memref<!tpu.dma_semaphore, #tpu.memory_space<semaphore_mem>>) src(%dma_wait3A_34 : memref<64x256xf32, #tpu.memory_space<hbm>>) dst(%arg9 : memref<64x256xf32, #tpu.memory_space<vmem>>)
        tpu.yield
      }) : () -> ()
      %dma_wait3A = arith.constant 0 : i32
      %dma_wait3A_19 = arith.constant 0 : i32
      %dma_wait3A_20 = tpu.memref_slice %arg2[%dma_wait3A, %dma_wait3A_19] : memref<8192x256xf32, #tpu.memory_space<hbm>> -> memref<8192x256xf32, #tpu.memory_space<hbm>>
      tpu.wait_indirect_dma semaphore(%arg11 : memref<!tpu.dma_semaphore, #tpu.memory_space<semaphore_mem>>) src(%dma_wait3A_20 : memref<8192x256xf32, #tpu.memory_space<hbm>>) dst(%arg8 : memref<64x256xf32, #tpu.memory_space<vmem>>)
      %scan3A_21 = arith.constant 0 : i32
      %scan3A_22 = arith.constant 64 : i32
      %scan3A_23 = arith.addi %scan3A_21, %scan3A_22 : i32
      %scan3A_24 = arith.constant 1 : i32
      %scan3A_25 = scf.for %scan3A_27 = %scan3A_21 to %scan3A_23 step %scan3A_24 iter_args(%scan3A_28 = %scan3A_11) -> (vector<16xf32>)  : i32 {
        %get3A = arith.index_cast %scan3A_27 : i32 to index
        %get3A_29 = arith.constant 0 : index
        %get3A_30 = tpu.vector_load %arg9[%get3A, %get3A_29] {strides = array<i32>} : memref<64x256xf32, #tpu.memory_space<vmem>>, vector<1x16xf32>,
        %get3A_31 = vector.shape_cast %get3A_30 : vector<1x16xf32> to vector<16xf32>
        %get3A_32 = arith.index_cast %scan3A_27 : i32 to index
        %get3A_33 = arith.constant 0 : index
        %get3A_34 = tpu.vector_load %arg8[%get3A_32, %get3A_33] {strides = array<i32>} : memref<64x256xf32, #tpu.memory_space<vmem>>, vector<1x16xf32>,
        %get3A_35 = vector.shape_cast %get3A_34 : vector<1x16xf32> to vector<16xf32>
        %sub3A = arith.subf %get3A_35, %get3A_31 : vector<16xf32>
        %mul3A_36 = arith.mulf %sub3A, %sub3A : vector<16xf32>
        %add3A_37 = arith.addf %scan3A_28, %mul3A_36 : vector<16xf32>
        %add3A_38 = arith.addf %get3A_31, %sub3A : vector<16xf32>
        %swap3A_39 = arith.index_cast %scan3A_27 : i32 to index
        %swap3A_40 = arith.constant 0 : index
        %swap3A_41 = tpu.vector_load %arg8[%swap3A_39, %swap3A_40] {strides = array<i32>} : memref<64x256xf32, #tpu.memory_space<vmem>>, vector<1x16xf32>,
        %swap3A_42 = vector.shape_cast %swap3A_41 : vector<1x16xf32> to vector<16xf32>
        %swap3A_43 = vector.shape_cast %add3A_38 : vector<16xf32> to vector<1x16xf32>
        tpu.vector_store %arg8[%swap3A_39, %swap3A_40], %swap3A_43 {strides = array<i32>} : memref<64x256xf32, #tpu.memory_space<vmem>>, vector<1x16xf32>,
        %get3A_44 = arith.index_cast %scan3A_27 : i32 to index
        %get3A_45 = arith.constant 16 : index
        %get3A_46 = tpu.vector_load %arg9[%get3A_44, %get3A_45] {strides = array<i32>} : memref<64x256xf32, #tpu.memory_space<vmem>>, vector<1x16xf32>,
        %get3A_47 = vector.shape_cast %get3A_46 : vector<1x16xf32> to vector<16xf32>
        %get3A_48 = arith.index_cast %scan3A_27 : i32 to index
        %get3A_49 = arith.constant 16 : index
        %get3A_50 = tpu.vector_load %arg8[%get3A_48, %get3A_49] {strides = array<i32>} : memref<64x256xf32, #tpu.memory_space<vmem>>, vector<1x16xf32>,
        %get3A_51 = vector.shape_cast %get3A_50 : vector<1x16xf32> to vector<16xf32>
        %sub3A_52 = arith.subf %get3A_51, %get3A_47 : vector<16xf32>
        %mul3A_53 = arith.mulf %sub3A_52, %sub3A_52 : vector<16xf32>
        %add3A_54 = arith.addf %add3A_37, %mul3A_53 : vector<16xf32>
        %add3A_55 = arith.addf %get3A_47, %sub3A_52 : vector<16xf32>
        %swap3A_56 = arith.index_cast %scan3A_27 : i32 to index
        %swap3A_57 = arith.constant 16 : index
        %swap3A_58 = tpu.vector_load %arg8[%swap3A_56, %swap3A_57] {strides = array<i32>} : memref<64x256xf32, #tpu.memory_space<vmem>>, vector<1x16xf32>,
        %swap3A_59 = vector.shape_cast %swap3A_58 : vector<1x16xf32> to vector<16xf32>
        %swap3A_60 = vector.shape_cast %add3A_55 : vector<16xf32> to vector<1x16xf32>
        tpu.vector_store %arg8[%swap3A_56, %swap3A_57], %swap3A_60 {strides = array<i32>} : memref<64x256xf32, #tpu.memory_space<vmem>>, vector<1x16xf32>,
        %get3A_61 = arith.index_cast %scan3A_27 : i32 to index
        %get3A_62 = arith.constant 32 : index
        %get3A_63 = tpu.vector_load %arg9[%get3A_61, %get3A_62] {strides = array<i32>} : memref<64x256xf32, #tpu.memory_space<vmem>>, vector<1x16xf32>,
        %get3A_64 = vector.shape_cast %get3A_63 : vector<1x16xf32> to vector<16xf32>
        %get3A_65 = arith.index_cast %scan3A_27 : i32 to index
        %get3A_66 = arith.constant 32 : index
        %get3A_67 = tpu.vector_load %arg8[%get3A_65, %get3A_66] {strides = array<i32>} : memref<64x256xf32, #tpu.memory_space<vmem>>, vector<1x16xf32>,
        %get3A_68 = vector.shape_cast %get3A_67 : vector<1x16xf32> to vector<16xf32>
        %sub3A_69 = arith.subf %get3A_68, %get3A_64 : vector<16xf32>
        %mul3A_70 = arith.mulf %sub3A_69, %sub3A_69 : vector<16xf32>
        %add3A_71 = arith.addf %add3A_54, %mul3A_70 : vector<16xf32>
        %add3A_72 = arith.addf %get3A_64, %sub3A_69 : vector<16xf32>
        %swap3A_73 = arith.index_cast %scan3A_27 : i32 to index
        %swap3A_74 = arith.constant 32 : index
        %swap3A_75 = tpu.vector_load %arg8[%swap3A_73, %swap3A_74] {strides = array<i32>} : memref<64x256xf32, #tpu.memory_space<vmem>>, vector<1x16xf32>,
        %swap3A_76 = vector.shape_cast %swap3A_75 : vector<1x16xf32> to vector<16xf32>
        %swap3A_77 = vector.shape_cast %add3A_72 : vector<16xf32> to vector<1x16xf32>
        tpu.vector_store %arg8[%swap3A_73, %swap3A_74], %swap3A_77 {strides = array<i32>} : memref<64x256xf32, #tpu.memory_space<vmem>>, vector<1x16xf32>,
        %get3A_78 = arith.index_cast %scan3A_27 : i32 to index
        %get3A_79 = arith.constant 48 : index
        %get3A_80 = tpu.vector_load %arg9[%get3A_78, %get3A_79] {strides = array<i32>} : memref<64x256xf32, #tpu.memory_space<vmem>>, vector<1x16xf32>,
        %get3A_81 = vector.shape_cast %get3A_80 : vector<1x16xf32> to vector<16xf32>
        %get3A_82 = arith.index_cast %scan3A_27 : i32 to index
        %get3A_83 = arith.constant 48 : index
        %get3A_84 = tpu.vector_load %arg8[%get3A_82, %get3A_83] {strides = array<i32>} : memref<64x256xf32, #tpu.memory_space<vmem>>, vector<1x16xf32>,
        %get3A_85 = vector.shape_cast %get3A_84 : vector<1x16xf32> to vector<16xf32>
        %sub3A_86 = arith.subf %get3A_85, %get3A_81 : vector<16xf32>
        %mul3A_87 = arith.mulf %sub3A_86, %sub3A_86 : vector<16xf32>
        %add3A_88 = arith.addf %add3A_71, %mul3A_87 : vector<16xf32>
        %add3A_89 = arith.addf %get3A_81, %sub3A_86 : vector<16xf32>
        %swap3A_90 = arith.index_cast %scan3A_27 : i32 to index
        %swap3A_91 = arith.constant 48 : index
        %swap3A_92 = tpu.vector_load %arg8[%swap3A_90, %swap3A_91] {strides = array<i32>} : memref<64x256xf32, #tpu.memory_space<vmem>>, vector<1x16xf32>,
        %swap3A_93 = vector.shape_cast %swap3A_92 : vector<1x16xf32> to vector<16xf32>
        %swap3A_94 = vector.shape_cast %add3A_89 : vector<16xf32> to vector<1x16xf32>
        tpu.vector_store %arg8[%swap3A_90, %swap3A_91], %swap3A_94 {strides = array<i32>} : memref<64x256xf32, #tpu.memory_space<vmem>>, vector<1x16xf32>,
        %get3A_95 = arith.index_cast %scan3A_27 : i32 to index
        %get3A_96 = arith.constant 64 : index
        %get3A_97 = tpu.vector_load %arg9[%get3A_95, %get3A_96] {strides = array<i32>} : memref<64x256xf32, #tpu.memory_space<vmem>>, vector<1x16xf32>,
        %get3A_98 = vector.shape_cast %get3A_97 : vector<1x16xf32> to vector<16xf32>
        %get3A_99 = arith.index_cast %scan3A_27 : i32 to index
        %get3A_100 = arith.constant 64 : index
        %get3A_101 = tpu.vector_load %arg8[%get3A_99, %get3A_100] {strides = array<i32>} : memref<64x256xf32, #tpu.memory_space<vmem>>, vector<1x16xf32>,
        %get3A_102 = vector.shape_cast %get3A_101 : vector<1x16xf32> to vector<16xf32>
        %sub3A_103 = arith.subf %get3A_102, %get3A_98 : vector<16xf32>
        %mul3A_104 = arith.mulf %sub3A_103, %sub3A_103 : vector<16xf32>
        %add3A_105 = arith.addf %add3A_88, %mul3A_104 : vector<16xf32>
        %add3A_106 = arith.addf %get3A_98, %sub3A_103 : vector<16xf32>
        %swap3A_107 = arith.index_cast %scan3A_27 : i32 to index
        %swap3A_108 = arith.constant 64 : index
        %swap3A_109 = tpu.vector_load %arg8[%swap3A_107, %swap3A_108] {strides = array<i32>} : memref<64x256xf32, #tpu.memory_space<vmem>>, vector<1x16xf32>,
        %swap3A_110 = vector.shape_cast %swap3A_109 : vector<1x16xf32> to vector<16xf32>
        %swap3A_111 = vector.shape_cast %add3A_106 : vector<16xf32> to vector<1x16xf32>
        tpu.vector_store %arg8[%swap3A_107, %swap3A_108], %swap3A_111 {strides = array<i32>} : memref<64x256xf32, #tpu.memory_space<vmem>>, vector<1x16xf32>,
        %get3A_112 = arith.index_cast %scan3A_27 : i32 to index
        %get3A_113 = arith.constant 80 : index
        %get3A_114 = tpu.vector_load %arg9[%get3A_112, %get3A_113] {strides = array<i32>} : memref<64x256xf32, #tpu.memory_space<vmem>>, vector<1x16xf32>,
        %get3A_115 = vector.shape_cast %get3A_114 : vector<1x16xf32> to vector<16xf32>
        %get3A_116 = arith.index_cast %scan3A_27 : i32 to index
        %get3A_117 = arith.constant 80 : index
        %get3A_118 = tpu.vector_load %arg8[%get3A_116, %get3A_117] {strides = array<i32>} : memref<64x256xf32, #tpu.memory_space<vmem>>, vector<1x16xf32>,
        %get3A_119 = vector.shape_cast %get3A_118 : vector<1x16xf32> to vector<16xf32>
        %sub3A_120 = arith.subf %get3A_119, %get3A_115 : vector<16xf32>
        %mul3A_121 = arith.mulf %sub3A_120, %sub3A_120 : vector<16xf32>
        %add3A_122 = arith.addf %add3A_105, %mul3A_121 : vector<16xf32>
        %add3A_123 = arith.addf %get3A_115, %sub3A_120 : vector<16xf32>
        %swap3A_124 = arith.index_cast %scan3A_27 : i32 to index
        %swap3A_125 = arith.constant 80 : index
        %swap3A_126 = tpu.vector_load %arg8[%swap3A_124, %swap3A_125] {strides = array<i32>} : memref<64x256xf32, #tpu.memory_space<vmem>>, vector<1x16xf32>,
        %swap3A_127 = vector.shape_cast %swap3A_126 : vector<1x16xf32> to vector<16xf32>
        %swap3A_128 = vector.shape_cast %add3A_123 : vector<16xf32> to vector<1x16xf32>
        tpu.vector_store %arg8[%swap3A_124, %swap3A_125], %swap3A_128 {strides = array<i32>} : memref<64x256xf32, #tpu.memory_space<vmem>>, vector<1x16xf32>,
        %get3A_129 = arith.index_cast %scan3A_27 : i32 to index
        %get3A_130 = arith.constant 96 : index
        %get3A_131 = tpu.vector_load %arg9[%get3A_129, %get3A_130] {strides = array<i32>} : memref<64x256xf32, #tpu.memory_space<vmem>>, vector<1x16xf32>,
        %get3A_132 = vector.shape_cast %get3A_131 : vector<1x16xf32> to vector<16xf32>
        %get3A_133 = arith.index_cast %scan3A_27 : i32 to index
        %get3A_134 = arith.constant 96 : index
        %get3A_135 = tpu.vector_load %arg8[%get3A_133, %get3A_134] {strides = array<i32>} : memref<64x256xf32, #tpu.memory_space<vmem>>, vector<1x16xf32>,
        %get3A_136 = vector.shape_cast %get3A_135 : vector<1x16xf32> to vector<16xf32>
        %sub3A_137 = arith.subf %get3A_136, %get3A_132 : vector<16xf32>
        %mul3A_138 = arith.mulf %sub3A_137, %sub3A_137 : vector<16xf32>
        %add3A_139 = arith.addf %add3A_122, %mul3A_138 : vector<16xf32>
        %add3A_140 = arith.addf %get3A_132, %sub3A_137 : vector<16xf32>
        %swap3A_141 = arith.index_cast %scan3A_27 : i32 to index
        %swap3A_142 = arith.constant 96 : index
        %swap3A_143 = tpu.vector_load %arg8[%swap3A_141, %swap3A_142] {strides = array<i32>} : memref<64x256xf32, #tpu.memory_space<vmem>>, vector<1x16xf32>,
        %swap3A_144 = vector.shape_cast %swap3A_143 : vector<1x16xf32> to vector<16xf32>
        %swap3A_145 = vector.shape_cast %add3A_140 : vector<16xf32> to vector<1x16xf32>
        tpu.vector_store %arg8[%swap3A_141, %swap3A_142], %swap3A_145 {strides = array<i32>} : memref<64x256xf32, #tpu.memory_space<vmem>>, vector<1x16xf32>,
        %get3A_146 = arith.index_cast %scan3A_27 : i32 to index
        %get3A_147 = arith.constant 112 : index
        %get3A_148 = tpu.vector_load %arg9[%get3A_146, %get3A_147] {strides = array<i32>} : memref<64x256xf32, #tpu.memory_space<vmem>>, vector<1x16xf32>,
        %get3A_149 = vector.shape_cast %get3A_148 : vector<1x16xf32> to vector<16xf32>
        %get3A_150 = arith.index_cast %scan3A_27 : i32 to index
        %get3A_151 = arith.constant 112 : index
        %get3A_152 = tpu.vector_load %arg8[%get3A_150, %get3A_151] {strides = array<i32>} : memref<64x256xf32, #tpu.memory_space<vmem>>, vector<1x16xf32>,
        %get3A_153 = vector.shape_cast %get3A_152 : vector<1x16xf32> to vector<16xf32>
        %sub3A_154 = arith.subf %get3A_153, %get3A_149 : vector<16xf32>
        %mul3A_155 = arith.mulf %sub3A_154, %sub3A_154 : vector<16xf32>
        %add3A_156 = arith.addf %add3A_139, %mul3A_155 : vector<16xf32>
        %add3A_157 = arith.addf %get3A_149, %sub3A_154 : vector<16xf32>
        %swap3A_158 = arith.index_cast %scan3A_27 : i32 to index
        %swap3A_159 = arith.constant 112 : index
        %swap3A_160 = tpu.vector_load %arg8[%swap3A_158, %swap3A_159] {strides = array<i32>} : memref<64x256xf32, #tpu.memory_space<vmem>>, vector<1x16xf32>,
        %swap3A_161 = vector.shape_cast %swap3A_160 : vector<1x16xf32> to vector<16xf32>
        %swap3A_162 = vector.shape_cast %add3A_157 : vector<16xf32> to vector<1x16xf32>
        tpu.vector_store %arg8[%swap3A_158, %swap3A_159], %swap3A_162 {strides = array<i32>} : memref<64x256xf32, #tpu.memory_space<vmem>>, vector<1x16xf32>,
        %get3A_163 = arith.index_cast %scan3A_27 : i32 to index
        %get3A_164 = arith.constant 128 : index
        %get3A_165 = tpu.vector_load %arg9[%get3A_163, %get3A_164] {strides = array<i32>} : memref<64x256xf32, #tpu.memory_space<vmem>>, vector<1x16xf32>,
        %get3A_166 = vector.shape_cast %get3A_165 : vector<1x16xf32> to vector<16xf32>
        %get3A_167 = arith.index_cast %scan3A_27 : i32 to index
        %get3A_168 = arith.constant 128 : index
        %get3A_169 = tpu.vector_load %arg8[%get3A_167, %get3A_168] {strides = array<i32>} : memref<64x256xf32, #tpu.memory_space<vmem>>, vector<1x16xf32>,
        %get3A_170 = vector.shape_cast %get3A_169 : vector<1x16xf32> to vector<16xf32>
        %sub3A_171 = arith.subf %get3A_170, %get3A_166 : vector<16xf32>
        %mul3A_172 = arith.mulf %sub3A_171, %sub3A_171 : vector<16xf32>
        %add3A_173 = arith.addf %add3A_156, %mul3A_172 : vector<16xf32>
        %add3A_174 = arith.addf %get3A_166, %sub3A_171 : vector<16xf32>
        %swap3A_175 = arith.index_cast %scan3A_27 : i32 to index
        %swap3A_176 = arith.constant 128 : index
        %swap3A_177 = tpu.vector_load %arg8[%swap3A_175, %swap3A_176] {strides = array<i32>} : memref<64x256xf32, #tpu.memory_space<vmem>>, vector<1x16xf32>,
        %swap3A_178 = vector.shape_cast %swap3A_177 : vector<1x16xf32> to vector<16xf32>
        %swap3A_179 = vector.shape_cast %add3A_174 : vector<16xf32> to vector<1x16xf32>
        tpu.vector_store %arg8[%swap3A_175, %swap3A_176], %swap3A_179 {strides = array<i32>} : memref<64x256xf32, #tpu.memory_space<vmem>>, vector<1x16xf32>,
        %get3A_180 = arith.index_cast %scan3A_27 : i32 to index
        %get3A_181 = arith.constant 144 : index
        %get3A_182 = tpu.vector_load %arg9[%get3A_180, %get3A_181] {strides = array<i32>} : memref<64x256xf32, #tpu.memory_space<vmem>>, vector<1x16xf32>,
        %get3A_183 = vector.shape_cast %get3A_182 : vector<1x16xf32> to vector<16xf32>
        %get3A_184 = arith.index_cast %scan3A_27 : i32 to index
        %get3A_185 = arith.constant 144 : index
        %get3A_186 = tpu.vector_load %arg8[%get3A_184, %get3A_185] {strides = array<i32>} : memref<64x256xf32, #tpu.memory_space<vmem>>, vector<1x16xf32>,
        %get3A_187 = vector.shape_cast %get3A_186 : vector<1x16xf32> to vector<16xf32>
        %sub3A_188 = arith.subf %get3A_187, %get3A_183 : vector<16xf32>
        %mul3A_189 = arith.mulf %sub3A_188, %sub3A_188 : vector<16xf32>
        %add3A_190 = arith.addf %add3A_173, %mul3A_189 : vector<16xf32>
        %add3A_191 = arith.addf %get3A_183, %sub3A_188 : vector<16xf32>
        %swap3A_192 = arith.index_cast %scan3A_27 : i32 to index
        %swap3A_193 = arith.constant 144 : index
        %swap3A_194 = tpu.vector_load %arg8[%swap3A_192, %swap3A_193] {strides = array<i32>} : memref<64x256xf32, #tpu.memory_space<vmem>>, vector<1x16xf32>,
        %swap3A_195 = vector.shape_cast %swap3A_194 : vector<1x16xf32> to vector<16xf32>
        %swap3A_196 = vector.shape_cast %add3A_191 : vector<16xf32> to vector<1x16xf32>
        tpu.vector_store %arg8[%swap3A_192, %swap3A_193], %swap3A_196 {strides = array<i32>} : memref<64x256xf32, #tpu.memory_space<vmem>>, vector<1x16xf32>,
        %get3A_197 = arith.index_cast %scan3A_27 : i32 to index
        %get3A_198 = arith.constant 160 : index
        %get3A_199 = tpu.vector_load %arg9[%get3A_197, %get3A_198] {strides = array<i32>} : memref<64x256xf32, #tpu.memory_space<vmem>>, vector<1x16xf32>,
        %get3A_200 = vector.shape_cast %get3A_199 : vector<1x16xf32> to vector<16xf32>
        %get3A_201 = arith.index_cast %scan3A_27 : i32 to index
        %get3A_202 = arith.constant 160 : index
        %get3A_203 = tpu.vector_load %arg8[%get3A_201, %get3A_202] {strides = array<i32>} : memref<64x256xf32, #tpu.memory_space<vmem>>, vector<1x16xf32>,
        %get3A_204 = vector.shape_cast %get3A_203 : vector<1x16xf32> to vector<16xf32>
        %sub3A_205 = arith.subf %get3A_204, %get3A_200 : vector<16xf32>
        %mul3A_206 = arith.mulf %sub3A_205, %sub3A_205 : vector<16xf32>
        %add3A_207 = arith.addf %add3A_190, %mul3A_206 : vector<16xf32>
        %add3A_208 = arith.addf %get3A_200, %sub3A_205 : vector<16xf32>
        %swap3A_209 = arith.index_cast %scan3A_27 : i32 to index
        %swap3A_210 = arith.constant 160 : index
        %swap3A_211 = tpu.vector_load %arg8[%swap3A_209, %swap3A_210] {strides = array<i32>} : memref<64x256xf32, #tpu.memory_space<vmem>>, vector<1x16xf32>,
        %swap3A_212 = vector.shape_cast %swap3A_211 : vector<1x16xf32> to vector<16xf32>
        %swap3A_213 = vector.shape_cast %add3A_208 : vector<16xf32> to vector<1x16xf32>
        tpu.vector_store %arg8[%swap3A_209, %swap3A_210], %swap3A_213 {strides = array<i32>} : memref<64x256xf32, #tpu.memory_space<vmem>>, vector<1x16xf32>,
        %get3A_214 = arith.index_cast %scan3A_27 : i32 to index
        %get3A_215 = arith.constant 176 : index
        %get3A_216 = tpu.vector_load %arg9[%get3A_214, %get3A_215] {strides = array<i32>} : memref<64x256xf32, #tpu.memory_space<vmem>>, vector<1x16xf32>,
        %get3A_217 = vector.shape_cast %get3A_216 : vector<1x16xf32> to vector<16xf32>
        %get3A_218 = arith.index_cast %scan3A_27 : i32 to index
        %get3A_219 = arith.constant 176 : index
        %get3A_220 = tpu.vector_load %arg8[%get3A_218, %get3A_219] {strides = array<i32>} : memref<64x256xf32, #tpu.memory_space<vmem>>, vector<1x16xf32>,
        %get3A_221 = vector.shape_cast %get3A_220 : vector<1x16xf32> to vector<16xf32>
        %sub3A_222 = arith.subf %get3A_221, %get3A_217 : vector<16xf32>
        %mul3A_223 = arith.mulf %sub3A_222, %sub3A_222 : vector<16xf32>
        %add3A_224 = arith.addf %add3A_207, %mul3A_223 : vector<16xf32>
        %add3A_225 = arith.addf %get3A_217, %sub3A_222 : vector<16xf32>
        %swap3A_226 = arith.index_cast %scan3A_27 : i32 to index
        %swap3A_227 = arith.constant 176 : index
        %swap3A_228 = tpu.vector_load %arg8[%swap3A_226, %swap3A_227] {strides = array<i32>} : memref<64x256xf32, #tpu.memory_space<vmem>>, vector<1x16xf32>,
        %swap3A_229 = vector.shape_cast %swap3A_228 : vector<1x16xf32> to vector<16xf32>
        %swap3A_230 = vector.shape_cast %add3A_225 : vector<16xf32> to vector<1x16xf32>
        tpu.vector_store %arg8[%swap3A_226, %swap3A_227], %swap3A_230 {strides = array<i32>} : memref<64x256xf32, #tpu.memory_space<vmem>>, vector<1x16xf32>,
        %get3A_231 = arith.index_cast %scan3A_27 : i32 to index
        %get3A_232 = arith.constant 192 : index
        %get3A_233 = tpu.vector_load %arg9[%get3A_231, %get3A_232] {strides = array<i32>} : memref<64x256xf32, #tpu.memory_space<vmem>>, vector<1x16xf32>,
        %get3A_234 = vector.shape_cast %get3A_233 : vector<1x16xf32> to vector<16xf32>
        %get3A_235 = arith.index_cast %scan3A_27 : i32 to index
        %get3A_236 = arith.constant 192 : index
        %get3A_237 = tpu.vector_load %arg8[%get3A_235, %get3A_236] {strides = array<i32>} : memref<64x256xf32, #tpu.memory_space<vmem>>, vector<1x16xf32>,
        %get3A_238 = vector.shape_cast %get3A_237 : vector<1x16xf32> to vector<16xf32>
        %sub3A_239 = arith.subf %get3A_238, %get3A_234 : vector<16xf32>
        %mul3A_240 = arith.mulf %sub3A_239, %sub3A_239 : vector<16xf32>
        %add3A_241 = arith.addf %add3A_224, %mul3A_240 : vector<16xf32>
        %add3A_242 = arith.addf %get3A_234, %sub3A_239 : vector<16xf32>
        %swap3A_243 = arith.index_cast %scan3A_27 : i32 to index
        %swap3A_244 = arith.constant 192 : index
        %swap3A_245 = tpu.vector_load %arg8[%swap3A_243, %swap3A_244] {strides = array<i32>} : memref<64x256xf32, #tpu.memory_space<vmem>>, vector<1x16xf32>,
        %swap3A_246 = vector.shape_cast %swap3A_245 : vector<1x16xf32> to vector<16xf32>
        %swap3A_247 = vector.shape_cast %add3A_242 : vector<16xf32> to vector<1x16xf32>
        tpu.vector_store %arg8[%swap3A_243, %swap3A_244], %swap3A_247 {strides = array<i32>} : memref<64x256xf32, #tpu.memory_space<vmem>>, vector<1x16xf32>,
        %get3A_248 = arith.index_cast %scan3A_27 : i32 to index
        %get3A_249 = arith.constant 208 : index
        %get3A_250 = tpu.vector_load %arg9[%get3A_248, %get3A_249] {strides = array<i32>} : memref<64x256xf32, #tpu.memory_space<vmem>>, vector<1x16xf32>,
        %get3A_251 = vector.shape_cast %get3A_250 : vector<1x16xf32> to vector<16xf32>
        %get3A_252 = arith.index_cast %scan3A_27 : i32 to index
        %get3A_253 = arith.constant 208 : index
        %get3A_254 = tpu.vector_load %arg8[%get3A_252, %get3A_253] {strides = array<i32>} : memref<64x256xf32, #tpu.memory_space<vmem>>, vector<1x16xf32>,
        %get3A_255 = vector.shape_cast %get3A_254 : vector<1x16xf32> to vector<16xf32>
        %sub3A_256 = arith.subf %get3A_255, %get3A_251 : vector<16xf32>
        %mul3A_257 = arith.mulf %sub3A_256, %sub3A_256 : vector<16xf32>
        %add3A_258 = arith.addf %add3A_241, %mul3A_257 : vector<16xf32>
        %add3A_259 = arith.addf %get3A_251, %sub3A_256 : vector<16xf32>
        %swap3A_260 = arith.index_cast %scan3A_27 : i32 to index
        %swap3A_261 = arith.constant 208 : index
        %swap3A_262 = tpu.vector_load %arg8[%swap3A_260, %swap3A_261] {strides = array<i32>} : memref<64x256xf32, #tpu.memory_space<vmem>>, vector<1x16xf32>,
        %swap3A_263 = vector.shape_cast %swap3A_262 : vector<1x16xf32> to vector<16xf32>
        %swap3A_264 = vector.shape_cast %add3A_259 : vector<16xf32> to vector<1x16xf32>
        tpu.vector_store %arg8[%swap3A_260, %swap3A_261], %swap3A_264 {strides = array<i32>} : memref<64x256xf32, #tpu.memory_space<vmem>>, vector<1x16xf32>,
        %get3A_265 = arith.index_cast %scan3A_27 : i32 to index
        %get3A_266 = arith.constant 224 : index
        %get3A_267 = tpu.vector_load %arg9[%get3A_265, %get3A_266] {strides = array<i32>} : memref<64x256xf32, #tpu.memory_space<vmem>>, vector<1x16xf32>,
        %get3A_268 = vector.shape_cast %get3A_267 : vector<1x16xf32> to vector<16xf32>
        %get3A_269 = arith.index_cast %scan3A_27 : i32 to index
        %get3A_270 = arith.constant 224 : index
        %get3A_271 = tpu.vector_load %arg8[%get3A_269, %get3A_270] {strides = array<i32>} : memref<64x256xf32, #tpu.memory_space<vmem>>, vector<1x16xf32>,
        %get3A_272 = vector.shape_cast %get3A_271 : vector<1x16xf32> to vector<16xf32>
        %sub3A_273 = arith.subf %get3A_272, %get3A_268 : vector<16xf32>
        %mul3A_274 = arith.mulf %sub3A_273, %sub3A_273 : vector<16xf32>
        %add3A_275 = arith.addf %add3A_258, %mul3A_274 : vector<16xf32>
        %add3A_276 = arith.addf %get3A_268, %sub3A_273 : vector<16xf32>
        %swap3A_277 = arith.index_cast %scan3A_27 : i32 to index
        %swap3A_278 = arith.constant 224 : index
        %swap3A_279 = tpu.vector_load %arg8[%swap3A_277, %swap3A_278] {strides = array<i32>} : memref<64x256xf32, #tpu.memory_space<vmem>>, vector<1x16xf32>,
        %swap3A_280 = vector.shape_cast %swap3A_279 : vector<1x16xf32> to vector<16xf32>
        %swap3A_281 = vector.shape_cast %add3A_276 : vector<16xf32> to vector<1x16xf32>
        tpu.vector_store %arg8[%swap3A_277, %swap3A_278], %swap3A_281 {strides = array<i32>} : memref<64x256xf32, #tpu.memory_space<vmem>>, vector<1x16xf32>,
        %get3A_282 = arith.index_cast %scan3A_27 : i32 to index
        %get3A_283 = arith.constant 240 : index
        %get3A_284 = tpu.vector_load %arg9[%get3A_282, %get3A_283] {strides = array<i32>} : memref<64x256xf32, #tpu.memory_space<vmem>>, vector<1x16xf32>,
        %get3A_285 = vector.shape_cast %get3A_284 : vector<1x16xf32> to vector<16xf32>
        %get3A_286 = arith.index_cast %scan3A_27 : i32 to index
        %get3A_287 = arith.constant 240 : index
        %get3A_288 = tpu.vector_load %arg8[%get3A_286, %get3A_287] {strides = array<i32>} : memref<64x256xf32, #tpu.memory_space<vmem>>, vector<1x16xf32>,
        %get3A_289 = vector.shape_cast %get3A_288 : vector<1x16xf32> to vector<16xf32>
        %sub3A_290 = arith.subf %get3A_289, %get3A_285 : vector<16xf32>
        %mul3A_291 = arith.mulf %sub3A_290, %sub3A_290 : vector<16xf32>
        %add3A_292 = arith.addf %add3A_275, %mul3A_291 : vector<16xf32>
        %add3A_293 = arith.addf %get3A_285, %sub3A_290 : vector<16xf32>
        %swap3A_294 = arith.index_cast %scan3A_27 : i32 to index
        %swap3A_295 = arith.constant 240 : index
        %swap3A_296 = tpu.vector_load %arg8[%swap3A_294, %swap3A_295] {strides = array<i32>} : memref<64x256xf32, #tpu.memory_space<vmem>>, vector<1x16xf32>,
        %swap3A_297 = vector.shape_cast %swap3A_296 : vector<1x16xf32> to vector<16xf32>
        %swap3A_298 = vector.shape_cast %add3A_293 : vector<16xf32> to vector<1x16xf32>
        tpu.vector_store %arg8[%swap3A_294, %swap3A_295], %swap3A_298 {strides = array<i32>} : memref<64x256xf32, #tpu.memory_space<vmem>>, vector<1x16xf32>,
        scf.yield %add3A_292 : vector<16xf32>
      }
      %scan3A_26 = arith.constant 64 : i32
      "tpu.region"() ({
        %run_scoped3A = tpu.sem_alloc : memref<!tpu.dma_semaphore, #tpu.memory_space<semaphore_mem>>
        %dma_start3A_27 = arith.constant 0 : i32
        %dma_start3A_28 = tpu.memref_slice %arg5[%add3A_16, %dma_start3A_27] : memref<16384x256xf32, #tpu.memory_space<hbm>> -> memref<64x256xf32, #tpu.memory_space<hbm>>
        %dma_start3A_29 = arith.constant 0 : i32
        %dma_start3A_30 = tpu.memref_slice %arg5[%add3A_16, %dma_start3A_29] : memref<16384x256xf32, #tpu.memory_space<hbm>> -> memref<64x256xf32, #tpu.memory_space<hbm>>
        tpu.enqueue_dma source(%arg8 : memref<64x256xf32, #tpu.memory_space<vmem>>) target(%dma_start3A_30 : memref<64x256xf32, #tpu.memory_space<hbm>>) target_semaphore(%run_scoped3A : memref<!tpu.dma_semaphore, #tpu.memory_space<semaphore_mem>>)
        %dma_wait3A_31 = arith.constant 0 : i32
        %dma_wait3A_32 = tpu.memref_slice %arg5[%add3A_16, %dma_wait3A_31] : memref<16384x256xf32, #tpu.memory_space<hbm>> -> memref<64x256xf32, #tpu.memory_space<hbm>>
        %dma_wait3A_33 = arith.constant 0 : i32
        %dma_wait3A_34 = tpu.memref_slice %arg5[%add3A_16, %dma_wait3A_33] : memref<16384x256xf32, #tpu.memory_space<hbm>> -> memref<64x256xf32, #tpu.memory_space<hbm>>
        tpu.wait_dma2 semaphore(%run_scoped3A : memref<!tpu.dma_semaphore, #tpu.memory_space<semaphore_mem>>) src(%arg8 : memref<64x256xf32, #tpu.memory_space<vmem>>) dst(%dma_wait3A_34 : memref<64x256xf32, #tpu.memory_space<hbm>>)
        tpu.yield
      }) : () -> ()
      scf.yield %scan3A_25 : vector<16xf32>
    }
    %scan3A_6 = arith.constant 8 : i32
    %swap3A = arith.constant 0 : index
    %swap3A_7 = tpu.vector_load %arg10[%swap3A] {strides = array<i32>} : memref<16xf32, #tpu.memory_space<vmem>>, vector<16xf32>,
    %swap3A_8 = vector.shape_cast %swap3A_7 : vector<16xf32> to vector<16xf32>
    %swap3A_9 = vector.shape_cast %scan3A_5 : vector<16xf32> to vector<16xf32>
    tpu.vector_store %arg10[%swap3A], %swap3A_9 {strides = array<i32>} : memref<16xf32, #tpu.memory_space<vmem>>, vector<16xf32>,
    "tpu.region"() ({
      %run_scoped3A = tpu.sem_alloc : memref<!tpu.dma_semaphore, #tpu.memory_space<semaphore_mem>>
      %dma_start3A = arith.constant 0 : i32
      %dma_start3A_10 = tpu.memref_slice %arg6[%add3A, %dma_start3A] : memref<32x16xf32, #tpu.memory_space<hbm>> -> memref<1x16xf32, #tpu.memory_space<hbm>>
      %dma_start3A_11 = tpu.memref_squeeze %dma_start3A_10 : memref<1x16xf32, #tpu.memory_space<hbm>> -> memref<16xf32, #tpu.memory_space<hbm>>
      %dma_start3A_12 = arith.constant 0 : i32
      %dma_start3A_13 = tpu.memref_slice %arg6[%add3A, %dma_start3A_12] : memref<32x16xf32, #tpu.memory_space<hbm>> -> memref<1x16xf32, #tpu.memory_space<hbm>>
      %dma_start3A_14 = tpu.memref_squeeze %dma_start3A_13 : memref<1x16xf32, #tpu.memory_space<hbm>> -> memref<16xf32, #tpu.memory_space<hbm>>
      tpu.enqueue_dma source(%arg10 : memref<16xf32, #tpu.memory_space<vmem>>) target(%dma_start3A_14 : memref<16xf32, #tpu.memory_space<hbm>>) target_semaphore(%run_scoped3A : memref<!tpu.dma_semaphore, #tpu.memory_space<semaphore_mem>>)
      %dma_wait3A = arith.constant 0 : i32
      %dma_wait3A_15 = tpu.memref_slice %arg6[%add3A, %dma_wait3A] : memref<32x16xf32, #tpu.memory_space<hbm>> -> memref<1x16xf32, #tpu.memory_space<hbm>>
      %dma_wait3A_16 = tpu.memref_squeeze %dma_wait3A_15 : memref<1x16xf32, #tpu.memory_space<hbm>> -> memref<16xf32, #tpu.memory_space<hbm>>
      %dma_wait3A_17 = arith.constant 0 : i32
      %dma_wait3A_18 = tpu.memref_slice %arg6[%add3A, %dma_wait3A_17] : memref<32x16xf32, #tpu.memory_space<hbm>> -> memref<1x16xf32, #tpu.memory_space<hbm>>
      %dma_wait3A_19 = tpu.memref_squeeze %dma_wait3A_18 : memref<1x16xf32, #tpu.memory_space<hbm>> -> memref<16xf32, #tpu.memory_space<hbm>>
      tpu.wait_dma2 semaphore(%run_scoped3A : memref<!tpu.dma_semaphore, #tpu.memory_space<semaphore_mem>>) src(%arg10 : memref<16xf32, #tpu.memory_space<vmem>>) dst(%dma_wait3A_19 : memref<16xf32, #tpu.memory_space<hbm>>)
      tpu.yield
    }) : () -> ()
    return
  }
}

module attributes {stable_mosaic.version = 14 : i64} {
  func.func @_argmin_body(%arg0: i32, %arg1: memref<256x256xf32, #tpu.memory_space<vmem>>, %arg2: memref<8192x256xf32, #tpu.memory_space<vmem>>, %arg3: memref<1x1x256xi32, #tpu.memory_space<vmem>>, %arg4: memref<1x8192xf32, #tpu.memory_space<vmem>>, %arg5: memref<1x8192xf32, #tpu.memory_space<vmem>>) attributes {dimension_semantics = [#tpu.dimension_semantics<arbitrary>], iteration_bounds = array<i64: 64>, scalar_prefetch = 0 : i64, scratch_operands = 2 : i64, tpu.core_type = #tpu.core_type<tc>, window_params = [{transform_indices = @transform_0, window_bounds = array<i64: 256, 256>}, {pipeline_mode = #tpu.pipeline_mode<synchronous>, transform_indices = @transform_1, window_bounds = array<i64: 8192, 256>}, {transform_indices = @transform_2, window_bounds = array<i64: 1, 1, 256>}]} {
    %eq3A = arith.constant 0 : i32
    %eq3A_0 = arith.cmpi eq, %arg0, %eq3A : i32
    %convert_element_type3A = arith.extui %eq3A_0 : i1 to i32
    %cond3A = arith.constant 0 : i32
    %cond3A_1 = arith.cmpi ne, %convert_element_type3A, %cond3A : i32
    scf.if %cond3A_1 {
      %get3A_33 = arith.constant 0 : index
      %get3A_34 = arith.constant 0 : index
      %get3A_35 = vector.load %arg2[%get3A_33, %get3A_34] : memref<8192x256xf32, #tpu.memory_space<vmem>>, vector<8192x256xf32>
      %mul3A_36 = arith.mulf %get3A_35, %get3A_35 : vector<8192x256xf32>
      %reduce_sum3A_37 = arith.constant dense<0.000000e+00> : vector<8192xf32>
      %reduce_sum3A_38 = vector.multi_reduction <add>, %mul3A_36, %reduce_sum3A_37 [1] : vector<8192x256xf32> to vector<8192xf32>
      %broadcast_in_dim3A_39 = vector.shape_cast %reduce_sum3A_38 : vector<8192xf32> to vector<1x8192xf32>
      %swap3A_40 = arith.constant 0 : index
      %swap3A_41 = arith.constant 0 : index
      %swap3A_42 = vector.load %arg4[%swap3A_40, %swap3A_41] : memref<1x8192xf32, #tpu.memory_space<vmem>>, vector<1x8192xf32>
      tpu.vector_store %arg4[%swap3A_40, %swap3A_41], %broadcast_in_dim3A_39 {strides = array<i32>} : memref<1x8192xf32, #tpu.memory_space<vmem>>, vector<1x8192xf32>,
      %iota3A = tpu.iota {dimensions = array<i32: 1>} : vector<1x8192xi32>
      %convert_element_type3A_43 = arith.sitofp %iota3A : vector<1x8192xi32> to vector<1x8192xf32>
      %swap3A_44 = arith.constant 0 : index
      %swap3A_45 = arith.constant 0 : index
      %swap3A_46 = vector.load %arg5[%swap3A_44, %swap3A_45] : memref<1x8192xf32, #tpu.memory_space<vmem>>, vector<1x8192xf32>
      tpu.vector_store %arg5[%swap3A_44, %swap3A_45], %convert_element_type3A_43 {strides = array<i32>} : memref<1x8192xf32, #tpu.memory_space<vmem>>, vector<1x8192xf32>,
    } else {
    }
    %get3A = arith.constant 0 : index
    %get3A_2 = arith.constant 0 : index
    %get3A_3 = vector.load %arg1[%get3A, %get3A_2] : memref<256x256xf32, #tpu.memory_space<vmem>>, vector<256x256xf32>
    %mul3A = arith.mulf %get3A_3, %get3A_3 : vector<256x256xf32>
    %reduce_sum3A = arith.constant dense<0.000000e+00> : vector<256xf32>
    %reduce_sum3A_4 = vector.multi_reduction <add>, %mul3A, %reduce_sum3A [1] : vector<256x256xf32> to vector<256xf32>
    %broadcast_in_dim3A = vector.shape_cast %reduce_sum3A_4 : vector<256xf32> to vector<256x1xf32>
    %get3A_5 = arith.constant 0 : index
    %get3A_6 = arith.constant 0 : index
    %get3A_7 = vector.load %arg2[%get3A_5, %get3A_6] : memref<8192x256xf32, #tpu.memory_space<vmem>>, vector<8192x256xf32>
    %dot_general3A = arith.constant dense<0.000000e+00> : vector<256x8192xf32>
    %dot_general3A_8 = tpu.matmul %get3A_3, %get3A_7, %dot_general3A {dimension_numbers = #tpu.dot_dimension_numbers<[1], [1], [0], [0], [0, 0, 1, 0], [], []>, transpose_lhs_hint = false} : vector<256x256xf32>, vector<8192x256xf32>, vector<256x8192xf32> -> vector<256x8192xf32>
    %get3A_9 = arith.constant 0 : index
    %get3A_10 = arith.constant 0 : index
    %get3A_11 = vector.load %arg4[%get3A_9, %get3A_10] : memref<1x8192xf32, #tpu.memory_space<vmem>>, vector<1x8192xf32>
    %add3A = vector.broadcast %broadcast_in_dim3A : vector<256x1xf32> to vector<256x8192xf32>
    %add3A_12 = vector.broadcast %get3A_11 : vector<1x8192xf32> to vector<256x8192xf32>
    %add3A_13 = arith.addf %add3A, %add3A_12 : vector<256x8192xf32>
    %mul3A_14 = arith.constant 2.000000e+00 : f32
    %mul3A_15 = vector.broadcast %mul3A_14 : f32 to vector<256x8192xf32>
    %mul3A_16 = arith.mulf %mul3A_15, %dot_general3A_8 : vector<256x8192xf32>
    %sub3A = arith.subf %add3A_13, %mul3A_16 : vector<256x8192xf32>
    %reduce_min3A = arith.constant dense<0x7F800000> : vector<256xf32>
    %reduce_min3A_17 = vector.multi_reduction <minimumf>, %sub3A, %reduce_min3A [1] : vector<256x8192xf32> to vector<256xf32>
    %broadcast_in_dim3A_18 = vector.shape_cast %reduce_min3A_17 : vector<256xf32> to vector<256x1xf32>
    %eq3A_19 = vector.broadcast %broadcast_in_dim3A_18 : vector<256x1xf32> to vector<256x8192xf32>
    %eq3A_20 = arith.cmpf oeq, %sub3A, %eq3A_19 : vector<256x8192xf32>
    %get3A_21 = arith.constant 0 : index
    %get3A_22 = arith.constant 0 : index
    %get3A_23 = vector.load %arg5[%get3A_21, %get3A_22] : memref<1x8192xf32, #tpu.memory_space<vmem>>, vector<1x8192xf32>
    %jit3A = arith.constant 8.192000e+03 : f32
    %broadcast_in_dim3A_24 = vector.shape_cast %get3A_23 : vector<1x8192xf32> to vector<1x8192xf32>
    %broadcast_in_dim3A_25 = vector.broadcast %broadcast_in_dim3A_24 : vector<1x8192xf32> to vector<256x8192xf32>
    %broadcast_in_dim3A_26 = vector.broadcast %jit3A : f32 to vector<256x8192xf32>
    %select_n3A = arith.select %eq3A_20, %broadcast_in_dim3A_25, %broadcast_in_dim3A_26 : vector<256x8192xi1>, vector<256x8192xf32>
    %reduce_min3A_27 = arith.constant dense<0x7F800000> : vector<256xf32>
    %reduce_min3A_28 = vector.multi_reduction <minimumf>, %select_n3A, %reduce_min3A_27 [1] : vector<256x8192xf32> to vector<256xf32>
    %convert_element_type3A_29 = arith.fptosi %reduce_min3A_28 : vector<256xf32> to vector<256xi32>
    %reshape3A = vector.shape_cast %convert_element_type3A_29 : vector<256xi32> to vector<1x1x256xi32>
    %swap3A = arith.constant 0 : index
    %swap3A_30 = arith.constant 0 : index
    %swap3A_31 = arith.constant 0 : index
    %swap3A_32 = vector.load %arg3[%swap3A, %swap3A_30, %swap3A_31] : memref<1x1x256xi32, #tpu.memory_space<vmem>>, vector<1x1x256xi32>
    tpu.vector_store %arg3[%swap3A, %swap3A_30, %swap3A_31], %reshape3A {strides = array<i32>} : memref<1x1x256xi32, #tpu.memory_space<vmem>>, vector<1x1x256xi32>,
    return
  }
  func.func @transform_0(%arg0: i32) -> (i32, i32) {
    %c0_i32 = arith.constant 0 : i32
    %c0_i32_0 = arith.constant 0 : i32
    return %arg0, %c0_i32 : i32, i32
  }
  func.func @transform_1(%arg0: i32) -> (i32, i32) {
    %c0_i32 = arith.constant 0 : i32
    %c0_i32_0 = arith.constant 0 : i32
    %c0_i32_1 = arith.constant 0 : i32
    return %c0_i32, %c0_i32_0 : i32, i32
  }
  func.func @transform_2(%arg0: i32) -> (i32, i32, i32) {
    %c0_i32 = arith.constant 0 : i32
    %c0_i32_0 = arith.constant 0 : i32
    %c0_i32_1 = arith.constant 0 : i32
    return %arg0, %c0_i32, %c0_i32_0 : i32, i32, i32
  }
}

</mosaic_0001>

<sc_bundles>
// kernel: kernel.4.cloned.1.call-start
scs
__scs_entry_jumppad:
0x0: {  	(pc) =	sbr.rel $0x88, $3  }
0x1: {  	(tag) =	ssettag $0x0;
	lr =	simm.s32 $0x1  }
0x2: {  	[smem:$0x3F9F] =	sst lr;
	_ =	strace $0xD0000000  }
0x3: {  	_ = 	snop  }
0x4: {  	_ = 	snop  }
0x5: {  	_ = 	snop  }
0x6: {  	_ = 	snop  }
0x7: {  	_ = 	snop  }
__scs_overlays_trampoline_lowered:
0x8: {  	[smem:$0x3FAE] =	sst s0  }
0x9: {  	[smem:$0x3FAF] =	sst s1  }
0xa: {  	[smem:$0x3FB0] =	sst s2  }
0xb: {  	[smem:$0x3FB1] =	sst s3  }
0xc: {  	[smem:$0x3FB2] =	sst s4  }
0xd: {  	[smem:$0x3FB3] =	sst s5  }
0xe: {  	[smem:$0x3FB4] =	sst s6  }
0xf: {  	[smem:$0x3FB5] =	sst s7  }
0x10: {  	[smem:$0x3FB6] =	sst s8  }
0x11: {  	[smem:$0x3FB7] =	sst s9;
	s0 =	simm.s32 @!p0 $0x0  }
0x12: {  	s1 =	sld [smem:$0x3F9D];
	s0 =	simm.s32 @p0 $0x1  }
0x13: {  	[smem:$0x3FB8] =	sst s0;
	s0 =	simm.s32 @!p1 $0x0  }
0x14: {  	s2 =	sld [smem:$0x3F9C];
	s0 =	simm.s32 @p1 $0x1  }
0x15: {  	[smem:$0x3FB9] =	sst s0;
	s0 =	simm.s32 @!p2 $0x0  }
0x16: {  	s3 =	sld [smem:$0x3FDB];
	s0 =	simm.s32 @p2 $0x1  }
0x17: {  	s4 =	simm.s32 $0x1BF5;
	[smem:$0x3FBB] =	sst s0  }
0x18: {  	s0 =	sld [smem:$0x3F9E];
	_ =	swait.ge [sflag:s4], $0x0  }
0x19: {  	s7 =	sld [smem:$0x3F9F]  }
0x1a: {  	s8 =	sadd.s32 $0xFFFFE003, lr  }
0x1b: {  	s9 =	sadd.s32 $0xFFFFFEF7, lr;
	s5 =	simm.s32 $0xFFFFFFFF;
	p2 =	slt.u32 s8, $0xFFFFF086  }
0x1c: {  	p1 =	slt.u32 s9, $0xF7A;
	s5 =	simm.s32 @!p2 $0x0  }
0x1d: {  	s5 =	simm.s32 @p1 $0x1;
	p0 =	seq.s32 s7, s2  }
0x1e: {  	s7 =	smul.u32 @!p0 $0xF7A, s2;
	p2 =	seq.s32 @!p0 s5, $0x0  }
0x1f: {  	s9 =	smul.u32 $0xF7A, s1;
	s8 =	simm.s32 @!p0 $0x1BF5;
	p2 =	por !p2, p0  }
0x20: {  	[sflag:s8] =	ssyncset.s32 @!p0 $0xFFFFF086;
	s6 =	sadd.s32 @!p0 s3, s7;
	s7 =	simm.s32 @!p0 $0x108  }
0x21: {  	s3 =	sadd.s32 s3, s9;
	s6 =	sadd.s32 @!p0 $0x88, s6;
	s7 =	simm.s32 @p2 $0x1082  }
0x22: {  	[simem:s7], [sflag:s8] =	dma.local @!p0 [hbm:s6], $0xF7A  }
0x23: {  	s9 =	sor.u32 $0xD0000000, s2;
	s6 =	simm.s32 $0x108;
	_ =	swait.ge @!p0 [sflag:s8], $0x0  }
0x24: {  	s3 =	sadd.s32 $0x88, s3;
	s6 =	simm.s32 @!p1 $0x1082;
	[sflag:s4] =	ssyncset.s32 $0xFFFFF086  }
0x25: {  	[simem:s6], [sflag:s4] =	dma.local [hbm:s3], $0xF7A  }
0x26: {  	[smem:$0x3F9F] =	sst s1;
	(tag) =	ssettag s2;
	_ =	strace s9  }
0x27: {  	s1 =	sld [smem:$0x3FAF]  }
0x28: {  	s2 =	sld [smem:$0x3FB0]  }
0x29: {  	s4 =	sld [smem:$0x3FB2]  }
0x2a: {  	p0 =	seq.s32 s5, $0x0;
	s5 =	sld [smem:$0x3FB3]  }
0x2b: {  	s6 =	sld [smem:$0x3FB4]  }
0x2c: {  	s7 =	sld [smem:$0x3FB5]  }
0x2d: {  	s3 =	simm.s32 $0x108;
	s8 =	sld [smem:$0x3FB6]  }
0x2e: {  	s3 =	simm.s32 @!p0 $0x1082;
	s9 =	sld [smem:$0x3FB7]  }
0x2f: {  	lr =	sadd.s32 s0, s3;
	s0 =	sld [smem:$0x3FAE]  }
0x30: {  	s3 =	sld [smem:$0x3FB1]  }
0x31: {  	[smem:$0x3FBA] =	sst s10  }
0x32: {  	s10 =	sld [smem:$0x3FB8];
	_ =	sdelay $0x3  }
0x33: {  	p0 =	seq.s32 s10, $0x1;
	s10 =	sld [smem:$0x3FBA];
	_ =	sdelay $0x3  }
0x34: {  	[smem:$0x3FBA] =	sst s10  }
0x35: {  	s10 =	sld [smem:$0x3FB9];
	_ =	sdelay $0x3  }
0x36: {  	p1 =	seq.s32 s10, $0x1;
	s10 =	sld [smem:$0x3FBA];
	_ =	sdelay $0x3  }
0x37: {  	[smem:$0x3FBA] =	sst s10  }
0x38: {  	s10 =	sld [smem:$0x3FBB]  }
0x39: {  	_ = 	snop;
	(pc) =	sbr.ind lr, $3  }
0x3a: {  	_ = 	snop  }
0x3b: {  	_ = 	snop  }
0x3c: {  	p2 =	seq.s32 s10, $0x1;
	s10 =	sld [smem:$0x3FBA]  }
0x3d: {  	_ =	shalt  }
0x3e: {  	_ =	shalt  }
0x3f: {  	_ =	shalt  }
0x40: {  	_ =	shalt  }
0x41: {  	_ =	shalt  }
0x42: {  	_ =	shalt  }
0x43: {  	_ =	shalt  }
0x44: {  	_ =	shalt  }
0x45: {  	_ =	shalt  }
0x46: {  	_ =	shalt  }
0x47: {  	_ =	shalt  }
0x48: {  	_ =	shalt  }
0x49: {  	_ =	shalt  }
0x4a: {  	_ =	shalt  }
0x4b: {  	_ =	shalt  }
0x4c: {  	_ =	shalt  }
0x4d: {  	_ =	shalt  }
0x4e: {  	_ =	shalt  }
0x4f: {  	_ =	shalt  }
0x50: {  	_ =	shalt  }
0x51: {  	_ =	shalt  }
0x52: {  	_ =	shalt  }
0x53: {  	_ =	shalt  }
0x54: {  	_ =	shalt  }
0x55: {  	_ =	shalt  }
0x56: {  	_ =	shalt  }
0x57: {  	_ =	shalt  }
0x58: {  	_ =	shalt  }
0x59: {  	_ =	shalt  }
0x5a: {  	_ =	shalt  }
0x5b: {  	_ =	shalt  }
0x5c: {  	_ =	shalt  }
0x5d: {  	_ =	shalt  }
0x5e: {  	_ =	shalt  }
0x5f: {  	_ =	shalt  }
0x60: {  	_ =	shalt  }
0x61: {  	_ =	shalt  }
0x62: {  	_ =	shalt  }
0x63: {  	_ =	shalt  }
0x64: {  	_ =	shalt  }
0x65: {  	_ =	shalt  }
0x66: {  	_ =	shalt  }
0x67: {  	_ =	shalt  }
0x68: {  	_ =	shalt  }
0x69: {  	_ =	shalt  }
0x6a: {  	_ =	shalt  }
0x6b: {  	_ =	shalt  }
0x6c: {  	_ =	shalt  }
0x6d: {  	_ =	shalt  }
0x6e: {  	_ =	shalt  }
0x6f: {  	_ =	shalt  }
0x70: {  	_ =	shalt  }
0x71: {  	_ =	shalt  }
0x72: {  	_ =	shalt  }
0x73: {  	_ =	shalt  }
0x74: {  	_ =	shalt  }
0x75: {  	_ =	shalt  }
0x76: {  	_ =	shalt  }
0x77: {  	_ =	shalt  }
0x78: {  	_ =	shalt  }
0x79: {  	_ =	shalt  }
0x7a: {  	_ =	shalt  }
0x7b: {  	_ =	shalt  }
0x7c: {  	_ =	shalt  }
0x7d: {  	_ =	shalt  }
0x7e: {  	_ =	shalt  }
0x7f: {  	_ =	shalt  }
0x80: {  	_ =	shalt  }
0x81: {  	_ =	shalt  }
0x82: {  	_ =	shalt  }
0x83: {  	_ =	shalt  }
0x84: {  	_ =	shalt  }
0x85: {  	_ =	shalt  }
0x86: {  	_ =	shalt  }
0x87: {  	_ =	shalt  }
.Lfunc_end0:
.L_simem_size_0:
called_computation_lowered:
.L_overlay_start_0:
0x88: {  	s2 =	sld [smem:$0x3FD9]  }
0x89: {  	s3 =	sld [smem:$0x3FFE];
	_ =	sdelay $0x1  }
0x8a: {  	s1 =	srdreg.scid  }
0x8b: {  	s0 =	sand.u32 $0x1, s1  }
0x8c: {  	s14 =	sshll.u32 s0, $0xA;
	s2 =	sadd.s32 s3, s2  }
0x8d: {  	s2 =	sadd.s32 s2, s14  }
0x8e: {  	[smem:$0x3FC6] =	sst s2  }
0x8f: {  	_ = 	snop  }
0x90: {  	s2 =	sld [smem:$0x3FD0];
	_ =	sdelay $0x1  }
0x91: {  	s15 =	sld [smem:$0x3FC9]  }
0x92: {  	s5 =	simm.s32 $0xA;
	s6 =	simm.s32 $0x10;
	s4 =	sld [smem:$0x3FC8]  }
0x93: {  	[smem:s6], [sflag:s5] =	dma.local [hbm:s2], $0x1  }
0x94: {  	_ =	swait.eq [sflag:s5], $0x1  }
0x95: {  	[sflag:s5] =	ssyncset.done $0x0  }
0x96: {  	s16 =	sld [smem:$0x10];
	[sflag:s5] =	ssyncadd.s32 $0xFFFFFFFF  }
0x97: {  	s17 =	sld [smem:$0x12];
	(tm) =	ssettm $0x1  }
0x98: {  	s18 =	sld [smem:$0x3FFB];
	_ =	sdelay $0x3  }
0x99: {  	_ =	strace s18  }
0x9a: {  	s6 =	sld [smem:$0x3FFC];
	_ =	sdelay $0x3  }
0x9b: {  	_ =	strace s6  }
0x9c: {  	s6 =	sld [smem:$0x3FFD];
	_ =	sdelay $0x3  }
0x9d: {  	_ =	strace s6  }
0x9e: {  	_ =	strace $0x8FFFFFFF  }
0x9f: {  	s19 =	sld [smem:$0x3FDB];
	_ =	sdelay $0x1  }
0xa0: {  	s7 =	simm.s32 $_scs_section_size  }
0xa1: {  	s8 =	simm.s32 $_size__tile_overlayer_lowered;
	s9 =	simm.s32 $_tile_overlayer_lowered  }
0xa2: {  	s22 =	simm.s32 $0x1BFF;
	s21 =	sshll.u32 s9, $0x1;
	s6 =	sadd.s32 s7, s19  }
0xa3: {  	s10 =	simm.s32 $0x0;
	s20 =	sshll.u32 s8, $0x1;
	s8 =	sadd.s32 s21, s6  }
0xa4: {  	[timem:s10], [sflag:s22] =	dma.local [hbm:s8], s20  }
0xa5: {  	_ =	swait.ge [sflag:s22], s20  }
0xa6: {  	s7 =	ssub.s32 $0x0, s20;
	[sflag:s22] =	ssyncset.done $0x0  }
0xa7: {  	[sflag:s22] =	ssyncadd.s32 s7;
	_ =	sdelay $0x1  }
0xa8: {  	s23 =	simm.s32 $0x1B8B  }
0xa9: {  	_ =	swait.ge [sflag:s23], $0x1  }
0xaa: {  	[sflag:s23] =	ssyncset.done $0x0  }
0xab: {  	s25 =	simm.s32 $0x1B8E;
	s24 =	sld [smem:$0x3FFE];
	[sflag:s23] =	ssyncadd.s32 $0xFFFFFFFF  }
0xac: {  	s26 =	simm.s32 $execute0_lowered;
	[smem:$0x3FD2] =	sst s25  }
0xad: {  	s8 =	sshll.u32 s26, $0x1;
	_ =	strace $0x80000046;
	[dreg:$0x1] =	wrdreg $0xFFFFFFFF  }
0xae: {  	s28 =	simm.s32 $_size_execute0_lowered;
	s6 =	sadd.s32 s6, s8;
	[dreg:$0x0] =	wrdreg $0x0  }
0xaf: {  	s8 =	sshll.u32 s28, $0x1;
	[dreg:$0x2] =	wrdreg s6  }
0xb0: {  	[dreg:$0x3] =	wrdreg s8  }
0xb1: {  	[dreg:$0x4] =	wrdreg $0xC0  }
0xb2: {  	_ =	task [dreg:s10], $0x5FFFF  }
0xb3: {  	[dreg:$0x1] =	wrdreg $0xFFFFFFFF  }
0xb4: {  	[dreg:$0x0] =	wrdreg $0x60  }
0xb5: {  	[dreg:$0x2] =	wrdreg s4  }
0xb6: {  	[dreg:$0x3] =	wrdreg s17  }
0xb7: {  	[dreg:$0x4] =	wrdreg s15  }
0xb8: {  	[dreg:$0x5] =	wrdreg s16  }
0xb9: {  	[dreg:$0x6] =	wrdreg s24  }
0xba: {  	[dreg:$0x7] =	wrdreg $0x9  }
0xbb: {  	_ =	task.clear_ibuf [dreg:s10], $0x8FFFF;
	_ =	strace $0x90000046  }
0xbc: {  	s29 =	simm.s32 $0x9;
	_ =	strace $0x80000048  }
0xbd: {  	_ =	swait.ge [sflag:s29], $0x1  }
0xbe: {  	[sflag:s29] =	ssyncadd.s32 $0xFFFFFFFF  }
0xbf: {  	_ =	strace $0x90000048  }
0xc0: {  	_ =	sfence  }
0xc1: {  	s30 =	sld [smem:$0x0];
	_ =	sdelay $0x2  }
0xc2: {  	s31 =	sshll.u32 s1, $0xD;
	s1 =	sshrl.u32 s1, $0x2  }
0xc3: {  	s3 =	sand.u32 $0x4000, s31;
	s1 =	sadd.s32 s1, s30  }
0xc4: {  	s0 =	sor.u32 s3, s0;
	s1 =	sshll.u32 s1, $0x11  }
0xc5: {  	s0 =	sor.u32 s1, s0  }
0xc6: {  	s0 =	sadd.s32 $0x8F2B, s0  }
0xc7: {  	[sflag:s0] =	ssyncadd.remote.s32 $0x1  }
0xc8: {  	_ =	sfence.sel $0xFFFF  }
0xc9: {  	[dreg:$0x0] =	wrdreg $0xFFFFFFFF;
	(pc) =	sbr.abs _section_cstart, $3  }
0xca: {  	[dreg:$0x1] =	wrdreg $0xFFFFFFFF  }
0xcb: {  	_ =	task.clear_ibuf [dreg:s10], $0x2FFFF;
	_ =	strace $0x9FFFFFFF  }
0xcc: {  	(tm) =	ssettm $0x7FFFFFFF  }
0xcd: {  	_ =	shalt  }
tec
execute0_lowered:
.L_overlay_start_1:
0x0: {  	(tag) =	ssettag $0x1  }
0x1: {  	s1 =	rddreg [dreg:$0x0]  }
0x2: {  	s2 =	rddreg [dreg:$0x1]  }
0x3: {  	s3 =	rddreg [dreg:$0x2]  }
0x4: {  	s5 =	rddreg [dreg:$0x3]  }
0x5: {  	s7 =	rddreg [dreg:$0x4]  }
0x6: {  	s0 =	rddreg [dreg:$0x5]  }
0x7: {  	s8 =	srdreg.scid;
	s4 =	stileid.u32  }
0x8: {  	s6 =	simm.s32 $0x0;
	s12 =	simm.s32 $0x880;
	s13 =	simm.s32 $0x1080  }
0x9: {  	s14 =	simm.s32 $0x1880;
	s15 =	simm.s32 $0x2080;
	s16 =	simm.s32 $0x2880  }
0xa: {  	s17 =	simm.s32 $0x3080;
	s18 =	simm.s32 $0x3880;
	s19 =	simm.s32 $0x4080  }
0xb: {  	s20 =	simm.s32 $0x1;
	s8 =	sand.u32 $0x1, s8;
	s9 =	sshll.u32 s4, $0x1  }
0xc: {  	s21 =	simm.s32 $0x8080;
	s22 =	simm.s32 $0x0;
	s9 =	sor.u32 s8, s9  }
0xd: {  	[smem:$0x7FF] =	sst s6;
	s8 =	ssub.s32 $0x2, s8;
	s10 =	sshll.u32 s9, $0x4  }
0xe: {  	v2 =	vlaneseq.u32;
	_ =	strace $0x80000047;
	s11 =	sshrl.u32 s8, $0x1;
	s10 =	sadd.s32 s10, s7  }
0xf: {  	vm0 =	vmmov $0xffff;
	v1 =	vshrl.u32 v2, $0x3;
	s11 =	ssub.s32 s8, s11;
	s7 =	sshll.u32 s9, $0x9;
	s8 =	sadd.s32 $0x600, s10  }
0x10: {  	v0 =	vand.u32 $0x7, v2;
	v2 =	vor.u32 $0x8, v2;
	v1 =	vmul.u32 $0x8, v1;
	s9 =	smax.u32 s11, $0x1;
	s10 =	simm.s32 $0x2;
	s11 =	simm.s32 $0x80  }
.LBB2_1:
0x11: {  	v3 =	vimm.f32 $0.0e+00;
	s23 =	simm.s32 $0x0  }
.LBB2_2:
0x12: {  	s24 =	sshll.u32 s23, $0x6  }
0x13: {  	s24 =	sadd.s32 s7, s24  }
0x14: {  	s25 =	sshrl.u32 s24, $0x3  }
0x15: {  	s26 =	simm.s32 $0x0;
	s25 =	sadd.s32 s2, s25  }
0x16: {  	[tilespmem:s26], [sflag:$0x2] =	stream.linear.gather [hbm4b:s25+s26], $0x40, $0x38;
	[tilespmem:$0x8100] =	vst v63  }
0x17: {  	_ =	swait.ge [sflag:s10], $0x40  }
0x18: {  	[sflag:s10] =	ssyncset.done $0x0  }
0x19: {  	[sflag:s10] =	ssyncadd.s32 $0xFFFFFFC0  }
0x1a: {  	v4 =	vld [tilespmem:$0x0];
	_ =	sdelay $0x4  }
0x1b: {  	v5 =	vshll.u32 v4, $0x1  }
0x1c: {  	v4 =	vand.u32 $0x7, v4;
	v5 =	vand.u32 $0xFFFFFFF0, v5  }
0x1d: {  	v4 =	vor.u32 v4, v5  }
0x1e: {  	v5 =	vperm.xlane v4, v0;
	_ =	sdelay $0x1  }
0x1f: {  	v4 =	vperm.xlane v4, v2;
	v5 =	vadd.s32 v1, v5;
	_ =	sdelay $0x1  }
0x20: {  	v4 =	vadd.s32 v1, v4;
	_ =	sdelay $0x2  }
0x21: {  	[tilespmem:s11], [sflag:$0x1] =	stream.indirect_vreg.gather [hbm4b:s1+s26], $0x80, v5, vm0, $0xb8;
	[tilespmem:$0x8100] =	vst v63  }
0x22: {  	_ = 	snop  }
0x23: {  	[tilespmem:s12], [sflag:$0x1] =	stream.indirect_vreg.gather [hbm4b:s1+s26], $0x80, v4, vm0, $0xb8;
	[tilespmem:$0x8100] =	vst v63  }
0x24: {  	v4 =	vld [tilespmem:$0x10];
	_ =	sdelay $0x4  }
0x25: {  	v5 =	vshll.u32 v4, $0x1  }
0x26: {  	v4 =	vand.u32 $0x7, v4;
	v5 =	vand.u32 $0xFFFFFFF0, v5  }
0x27: {  	v4 =	vor.u32 v4, v5  }
0x28: {  	v5 =	vperm.xlane v4, v0;
	_ =	sdelay $0x1  }
0x29: {  	v4 =	vperm.xlane v4, v2;
	v5 =	vadd.s32 v1, v5;
	_ =	sdelay $0x1  }
0x2a: {  	v4 =	vadd.s32 v1, v4;
	_ =	sdelay $0x2  }
0x2b: {  	[tilespmem:s13], [sflag:$0x1] =	stream.indirect_vreg.gather [hbm4b:s1+s26], $0x80, v5, vm0, $0xb8;
	[tilespmem:$0x8100] =	vst v63  }
0x2c: {  	_ = 	snop  }
0x2d: {  	[tilespmem:s14], [sflag:$0x1] =	stream.indirect_vreg.gather [hbm4b:s1+s26], $0x80, v4, vm0, $0xb8;
	[tilespmem:$0x8100] =	vst v63  }
0x2e: {  	v4 =	vld [tilespmem:$0x20];
	_ =	sdelay $0x4  }
0x2f: {  	v5 =	vshll.u32 v4, $0x1  }
0x30: {  	v4 =	vand.u32 $0x7, v4;
	v5 =	vand.u32 $0xFFFFFFF0, v5  }
0x31: {  	v4 =	vor.u32 v4, v5  }
0x32: {  	v5 =	vperm.xlane v4, v0;
	_ =	sdelay $0x1  }
0x33: {  	v4 =	vperm.xlane v4, v2;
	v5 =	vadd.s32 v1, v5;
	_ =	sdelay $0x1  }
0x34: {  	v4 =	vadd.s32 v1, v4;
	_ =	sdelay $0x2  }
0x35: {  	[tilespmem:s15], [sflag:$0x1] =	stream.indirect_vreg.gather [hbm4b:s1+s26], $0x80, v5, vm0, $0xb8;
	[tilespmem:$0x8100] =	vst v63  }
0x36: {  	_ = 	snop  }
0x37: {  	[tilespmem:s16], [sflag:$0x1] =	stream.indirect_vreg.gather [hbm4b:s1+s26], $0x80, v4, vm0, $0xb8;
	[tilespmem:$0x8100] =	vst v63  }
0x38: {  	v4 =	vld [tilespmem:$0x30];
	_ =	sdelay $0x4  }
0x39: {  	v5 =	vshll.u32 v4, $0x1  }
0x3a: {  	v4 =	vand.u32 $0x7, v4;
	v5 =	vand.u32 $0xFFFFFFF0, v5  }
0x3b: {  	v4 =	vor.u32 v4, v5  }
0x3c: {  	v5 =	vperm.xlane v4, v0;
	_ =	sdelay $0x1  }
0x3d: {  	v4 =	vperm.xlane v4, v2;
	v5 =	vadd.s32 v1, v5;
	_ =	sdelay $0x1  }
0x3e: {  	v4 =	vadd.s32 v1, v4;
	_ =	sdelay $0x2  }
0x3f: {  	[tilespmem:s17], [sflag:$0x1] =	stream.indirect_vreg.gather [hbm4b:s1+s26], $0x80, v5, vm0, $0xb8;
	[tilespmem:$0x8100] =	vst v63  }
0x40: {  	s24 =	sshll.u32 s24, $0x5  }
0x41: {  	[tilespmem:s18], [sflag:$0x1] =	stream.indirect_vreg.gather [hbm4b:s1+s26], $0x80, v4, vm0, $0xb8;
	[tilespmem:$0x8100] =	vst v63  }
0x42: {  	s28 =	sadd.s32 s3, s24  }
0x43: {  	[tilespmem:s19], [sflag:$0x2] =	stream.linear.gather [hbm4b:s28+s26], $0x4000, $0x38;
	[tilespmem:$0x8100] =	vst v63  }
0x44: {  	_ =	swait.ge [sflag:s10], $0x4000  }
0x45: {  	[sflag:s10] =	ssyncset.done $0x0  }
0x46: {  	[sflag:s10] =	ssyncadd.s32 $0xFFFFC000  }
0x47: {  	_ =	swait.ge [sflag:s20], $0x4000  }
0x48: {  	s29 =	sand.u32 $0x3800, s26;
	s26 =	sand.u32 $0x380, s26;
	[sflag:s20] =	ssyncset.done $0x0  }
0x49: {  	s26 =	sor.u32 s26, s29;
	[sflag:s20] =	ssyncadd.s32 $0xFFFFC000  }
0x4a: {  	v4 =	vld [tilespmem:s26+$0x4A0]  }
0x4b: {  	v5 =	vld [tilespmem:s26+$0x44A0]  }
0x4c: {  	v6 =	vld [tilespmem:s26+$0x490]  }
0x4d: {  	v7 =	vld [tilespmem:s26+$0x4490]  }
0x4e: {  	v8 =	vld [tilespmem:s26+$0x480]  }
0x4f: {  	v9 =	vld [tilespmem:s26+$0x4480]  }
0x50: {  	v10 =	vld [tilespmem:s26+$0xF0]  }
0x51: {  	v11 =	vld [tilespmem:s26+$0x44D0]  }
0x52: {  	v12 =	vld [tilespmem:s26+$0x40F0]  }
0x53: {  	v13 =	vld [tilespmem:s26+$0xE0]  }
0x54: {  	v14 =	vld [tilespmem:s26+$0x40E0]  }
0x55: {  	v15 =	vld [tilespmem:s26+$0x40A0]  }
0x56: {  	v16 =	vld [tilespmem:s26+$0x40D0]  }
0x57: {  	v17 =	vld [tilespmem:s26+$0xB0]  }
0x58: {  	v18 =	vld [tilespmem:s26+$0xA0]  }
0x59: {  	v19 =	vld [tilespmem:s26+$0x40B0]  }
0x5a: {  	v20 =	vld [tilespmem:s26+$0x90]  }
0x5b: {  	v21 =	vld [tilespmem:s26+$0x4090]  }
0x5c: {  	v22 =	vld [tilespmem:s26+$0x4F0];
	v13 =	vsub.f32 v13, v14;
	v10 =	vsub.f32 v10, v12  }
0x5d: {  	v23 =	vld [tilespmem:s26+$0x80];
	v8 =	vsub.f32 v8, v9;
	v6 =	vsub.f32 v6, v7  }
0x5e: {  	v24 =	vld [tilespmem:s26+$0x4080];
	v17 =	vsub.f32 v17, v19;
	v12 =	vadd.f32 v10, v12  }
0x5f: {  	v25 =	vld [tilespmem:s26+$0x4E0];
	v9 =	vadd.f32 v8, v9;
	v7 =	vadd.f32 v6, v7  }
0x60: {  	[tilespmem:s26+$0xF0] =	vst v12;
	v12 =	vadd.f32 v17, v19;
	v19 =	vsub.f32 v4, v5;
	v4 =	vld [tilespmem:s26+$0x44E0]  }
0x61: {  	v26 =	vld [tilespmem:s26+$0x4C0];
	v20 =	vsub.f32 v20, v21;
	[tilespmem:s26+$0x480] =	vst v9  }
0x62: {  	v14 =	vadd.f32 v13, v14;
	v9 =	vld [tilespmem:s26+$0x44F0];
	[tilespmem:s26+$0x490] =	vst v7  }
0x63: {  	v31 =	vld [tilespmem:s26+$0x44B0];
	v7 =	vadd.f32 v20, v21;
	[tilespmem:s26+$0xB0] =	vst v12;
	v12 =	vsub.f32 v18, v15  }
0x64: {  	[tilespmem:s26+$0xE0] =	vst v14;
	v14 =	vld [tilespmem:s26+$0x44C0];
	v5 =	vadd.f32 v19, v5  }
0x65: {  	s31 =	simm.s32 $0x100;
	s28 =	simm.s32 $0x80;
	v21 =	vld [tilespmem:s26+$0x40C0];
	[tilespmem:s26+$0x90] =	vst v7;
	v7 =	vadd.f32 v12, v15;
	v15 =	vsub.f32 v25, v4  }
0x66: {  	s25 =	sand.u32 $0x3800, s31;
	s28 =	sand.u32 $0x380, s28;
	v23 =	vsub.f32 v23, v24;
	v18 =	vld [tilespmem:s26+$0x4D0]  }
0x67: {  	s25 =	sor.u32 s28, s25;
	[tilespmem:s26+$0x4A0] =	vst v5;
	v5 =	vld [tilespmem:s26+$0xC0];
	v22 =	vsub.f32 v22, v9;
	v4 =	vadd.f32 v15, v4  }
0x68: {  	v30 =	vld [tilespmem:s25+$0x44A0];
	[tilespmem:s26+$0xA0] =	vst v7  }
0x69: {  	v26 =	vsub.f32 v26, v14;
	v28 =	vld [tilespmem:s25+$0x4490];
	v7 =	vadd.f32 v22, v9;
	[tilespmem:s26+$0x4E0] =	vst v4;
	v4 =	vmul.f32 v23, v23  }
0x6a: {  	v25 =	vld [tilespmem:s26+$0xD0]  }
0x6b: {  	v9 =	vadd.f32 v26, v14;
	v14 =	vld [tilespmem:s25+$0x4480];
	[tilespmem:s26+$0x4F0] =	vst v7;
	v7 =	vmul.f32 v20, v20;
	v4 =	vadd.f32 v4, v3  }
0x6c: {  	v29 =	vld [tilespmem:s25+$0x4A0]  }
0x6d: {  	v12 =	vmul.f32 v12, v12;
	v27 =	vld [tilespmem:s25+$0x490];
	v4 =	vadd.f32 v7, v4  }
0x6e: {  	v5 =	vsub.f32 v5, v21;
	v20 =	vld [tilespmem:s25+$0xF0];
	[tilespmem:s26+$0x4C0] =	vst v9  }
0x6f: {  	v9 =	vsub.f32 v25, v16;
	v3 =	vld [tilespmem:s25+$0x44D0];
	v4 =	vadd.f32 v12, v4;
	v12 =	vmul.f32 v17, v17  }
0x70: {  	v18 =	vsub.f32 v18, v11;
	v21 =	vadd.f32 v5, v21;
	v25 =	vld [tilespmem:s25+$0x40F0]  }
0x71: {  	v5 =	vmul.f32 v5, v5;
	v7 =	vadd.f32 v9, v16;
	v16 =	vld [tilespmem:s26+$0x4B0];
	v4 =	vadd.f32 v12, v4  }
0x72: {  	[tilespmem:s26+$0xC0] =	vst v21;
	v21 =	vld [tilespmem:s25+$0x480]  }
0x73: {  	v11 =	vadd.f32 v18, v11;
	v9 =	vmul.f32 v9, v9;
	v32 =	vld [tilespmem:s25+$0x90];
	v5 =	vadd.f32 v5, v4  }
0x74: {  	v17 =	vld [tilespmem:s25+$0xE0];
	[tilespmem:s26+$0xD0] =	vst v7  }
0x75: {  	v12 =	vld [tilespmem:s25+$0x40E0];
	[tilespmem:s26+$0x4D0] =	vst v11;
	v11 =	vmul.f32 v13, v13;
	v5 =	vadd.f32 v9, v5  }
0x76: {  	v13 =	vld [tilespmem:s25+$0xA0]  }
0x77: {  	v10 =	vmul.f32 v10, v10;
	v7 =	vld [tilespmem:s25+$0x40A0];
	v5 =	vadd.f32 v11, v5  }
0x78: {  	v23 =	vadd.f32 v23, v24;
	v24 =	vsub.f32 v16, v31;
	v16 =	vld [tilespmem:s25+$0x4090]  }
0x79: {  	v8 =	vmul.f32 v8, v8;
	v4 =	vld [tilespmem:s25+$0x40D0];
	v5 =	vadd.f32 v10, v5  }
0x7a: {  	v9 =	vld [tilespmem:s25+$0xB0];
	v10 =	vsub.f32 v17, v12  }
0x7b: {  	v6 =	vmul.f32 v6, v6;
	v11 =	vld [tilespmem:s25+$0x40B0];
	[tilespmem:s26+$0x80] =	vst v23;
	v23 =	vadd.f32 v24, v31;
	v8 =	vadd.f32 v8, v5  }
0x7c: {  	v31 =	vsub.f32 v20, v25;
	v17 =	vld [tilespmem:s25+$0x4E0];
	v12 =	vadd.f32 v10, v12  }
0x7d: {  	v19 =	vmul.f32 v19, v19;
	v5 =	vld [tilespmem:s25+$0x4080];
	[tilespmem:s26+$0x4B0] =	vst v23;
	v6 =	vadd.f32 v6, v8  }
0x7e: {  	v33 =	vld [tilespmem:s25+$0x80];
	v8 =	vmul.f32 v24, v24;
	[tilespmem:s25+$0xE0] =	vst v12;
	v12 =	vadd.f32 v31, v25;
	v24 =	vsub.f32 v21, v14  }
0x7f: {  	v34 =	vmul.f32 v18, v18;
	v36 =	vld [tilespmem:s25+$0x4B0];
	v21 =	vsub.f32 v13, v7;
	v18 =	vadd.f32 v19, v6  }
0x80: {  	v35 =	vmul.f32 v15, v15;
	v20 =	vld [tilespmem:s25+$0x44C0];
	v13 =	vsub.f32 v27, v28;
	v27 =	vsub.f32 v32, v16  }
0x81: {  	v15 =	vmul.f32 v22, v22;
	v23 =	vmul.f32 v26, v26;
	v22 =	vld [tilespmem:s25+$0x40C0];
	[tilespmem:s25+$0xF0] =	vst v12;
	v12 =	vadd.f32 v8, v18  }
0x82: {  	v6 =	vld [tilespmem:s25+$0x44B0];
	v19 =	vsub.f32 v9, v11;
	v9 =	vadd.f32 v24, v14;
	v26 =	vmul.f32 v27, v27  }
0x83: {  	v25 =	vld [tilespmem:s25+$0x4C0];
	v63 =	vadd.f32 v13, v28;
	v8 =	vmul.f32 v10, v10;
	v12 =	vadd.f32 v23, v12  }
0x84: {  	v28 =	vld [tilespmem:s25+$0x4D0];
	v14 =	vadd.f32 v19, v11;
	[tilespmem:s25+$0x480] =	vst v9;
	v9 =	vmul.f32 v31, v31;
	v31 =	vsub.f32 v29, v30  }
0x85: {  	v18 =	vld [tilespmem:s25+$0x4F0];
	v10 =	vmul.f32 v24, v24;
	v11 =	vmul.f32 v13, v13;
	v34 =	vadd.f32 v34, v12  }
0x86: {  	v29 =	vmul.f32 v21, v21;
	v23 =	vld [tilespmem:s25+$0x44E0];
	[tilespmem:s25+$0xB0] =	vst v14;
	v14 =	vsub.f32 v33, v5;
	v30 =	vadd.f32 v31, v30  }
0x87: {  	s30 =	simm.s32 $0x200;
	s26 =	simm.s32 $0x100;
	v24 =	vld [tilespmem:s25+$0x44F0];
	[tilespmem:s25+$0x490] =	vst v63;
	v13 =	vmul.f32 v31, v31;
	v12 =	vsub.f32 v36, v6;
	v31 =	vadd.f32 v35, v34  }
.LBB2_3:
0x88: {  	s28 =	smov.u32 s30  }
0x89: {  	s29 =	sand.u32 $0x3800, s30;
	s31 =	sand.u32 $0x380, s26;
	v16 =	vadd.f32 v27, v16;
	v27 =	vld [tilespmem:s25+$0xC0];
	v32 =	vmul.f32 v12, v12;
	v25 =	vsub.f32 v25, v20;
	s28 =	sadd.s32 $0x100, s30  }
0x8a: {  	p0 =	sne.s32 s30, $0x3F00;
	v33 =	vmul.f32 v14, v14;
	s29 =	sor.u32 s31, s29;
	v28 =	vsub.f32 v28, v3;
	v15 =	vadd.f32 v15, v31;
	v34 =	vld [tilespmem:s25+$0xD0];
	[tilespmem:s25+$0x4A0] =	vst v30  }
0x8b: {  	v7 =	vadd.f32 v21, v7;
	v31 =	vmul.f32 v25, v25;
	v30 =	vld [tilespmem:s29+$0x4A0];
	[tilespmem:s25+$0x90] =	vst v16;
	v16 =	vsub.f32 v17, v23  }
0x8c: {  	v15 =	vadd.f32 v33, v15;
	v17 =	vsub.f32 v18, v24;
	v35 =	vld [tilespmem:s29+$0x44A0]  }
0x8d: {  	v33 =	vld [tilespmem:s29+$0x490];
	[tilespmem:s25+$0xA0] =	vst v7;
	v7 =	vadd.f32 v25, v20;
	v18 =	vadd.f32 v16, v23  }
0x8e: {  	v36 =	vmul.f32 v28, v28;
	v15 =	vadd.f32 v26, v15;
	v20 =	vadd.f32 v17, v24;
	v23 =	vld [tilespmem:s29+$0x4490]  }
0x8f: {  	v21 =	vsub.f32 v27, v22;
	v24 =	vld [tilespmem:s29+$0x480];
	v25 =	vsub.f32 v34, v4;
	[tilespmem:s25+$0x4E0] =	vst v18  }
0x90: {  	v19 =	vmul.f32 v19, v19;
	v18 =	vadd.f32 v29, v15;
	v34 =	vmul.f32 v16, v16;
	v26 =	vld [tilespmem:s29+$0x4480];
	[tilespmem:s25+$0x4F0] =	vst v20  }
0x91: {  	v16 =	vadd.f32 v21, v22;
	v15 =	vmul.f32 v17, v17;
	v20 =	vld [tilespmem:s29+$0xF0];
	v4 =	vadd.f32 v25, v4;
	[tilespmem:s25+$0x4C0] =	vst v7  }
0x92: {  	v17 =	vmul.f32 v21, v21;
	v7 =	vadd.f32 v19, v18;
	v18 =	vadd.f32 v28, v3;
	v3 =	vld [tilespmem:s29+$0x44D0]  }
0x93: {  	v19 =	vld [tilespmem:s29+$0x40F0];
	[tilespmem:s25+$0xC0] =	vst v16  }
0x94: {  	v16 =	vadd.f32 v17, v7;
	v17 =	vmul.f32 v25, v25;
	v21 =	vld [tilespmem:s29+$0xE0];
	[tilespmem:s25+$0xD0] =	vst v4  }
0x95: {  	v22 =	vld [tilespmem:s29+$0x40E0];
	[tilespmem:s25+$0x4D0] =	vst v18  }
0x96: {  	v16 =	vadd.f32 v17, v16;
	v7 =	vld [tilespmem:s29+$0x40A0]  }
0x97: {  	v4 =	vld [tilespmem:s29+$0x40D0]  }
0x98: {  	v8 =	vadd.f32 v8, v16;
	v25 =	vld [tilespmem:s29+$0xB0]  }
0x99: {  	v17 =	vld [tilespmem:s29+$0xA0]  }
0x9a: {  	v8 =	vadd.f32 v9, v8;
	v28 =	vld [tilespmem:s29+$0x40B0]  }
0x9b: {  	v5 =	vadd.f32 v14, v5;
	v27 =	vld [tilespmem:s29+$0x90]  }
0x9c: {  	v8 =	vadd.f32 v10, v8;
	v16 =	vld [tilespmem:s29+$0x4090]  }
0x9d: {  	v9 =	vsub.f32 v21, v22;
	v18 =	vld [tilespmem:s29+$0x4F0];
	[tilespmem:s25+$0x80] =	vst v5  }
0x9e: {  	v6 =	vadd.f32 v12, v6;
	v10 =	vadd.f32 v11, v8;
	v14 =	vld [tilespmem:s29+$0x80]  }
0x9f: {  	v8 =	vmul.f32 v9, v9;
	v9 =	vadd.f32 v9, v22;
	v11 =	vsub.f32 v20, v19;
	v5 =	vld [tilespmem:s29+$0x4080]  }
0xa0: {  	v21 =	vsub.f32 v17, v7;
	v10 =	vadd.f32 v13, v10;
	v17 =	vld [tilespmem:s29+$0x4E0];
	[tilespmem:s25+$0x4B0] =	vst v6;
	s25 =	smov.u32 s29  }
0xa1: {  	v12 =	vsub.f32 v24, v26;
	[tilespmem:s25+$0xE0] =	vst v9;
	v9 =	vmul.f32 v11, v11;
	v11 =	vadd.f32 v11, v19;
	v6 =	vld [tilespmem:s25+$0x44B0]  }
0xa2: {  	v19 =	vsub.f32 v25, v28;
	v13 =	vadd.f32 v32, v10;
	v22 =	vld [tilespmem:s25+$0x4B0]  }
0xa3: {  	v10 =	vmul.f32 v12, v12;
	[tilespmem:s25+$0xF0] =	vst v11;
	v11 =	vadd.f32 v12, v26;
	v12 =	vsub.f32 v33, v23;
	v20 =	vld [tilespmem:s25+$0x44C0]  }
.Ltmp0:
0xa4: {  	v27 =	vsub.f32 v27, v16;
	v13 =	vadd.f32 v31, v13;
	v25 =	vld [tilespmem:s25+$0x4C0];
	(pc) =	sbr.rel @p0 .LBB2_3-.Ltmp0, $4  }
0xa5: {  	v30 =	vsub.f32 v30, v35;
	v24 =	vadd.f32 v19, v28;
	[tilespmem:s25+$0x480] =	vst v11;
	v11 =	vmul.f32 v12, v12;
	v28 =	vld [tilespmem:s25+$0x4D0]  }
0xa6: {  	v26 =	vmul.f32 v27, v27;
	v31 =	vadd.f32 v12, v23;
	v32 =	vadd.f32 v36, v13;
	v23 =	vld [tilespmem:s25+$0x44E0]  }
0xa7: {  	v14 =	vsub.f32 v14, v5;
	v13 =	vmul.f32 v30, v30;
	[tilespmem:s25+$0xB0] =	vst v24;
	v12 =	vsub.f32 v22, v6;
	v24 =	vld [tilespmem:s25+$0x44F0]  }
0xa8: {  	s26 =	sadd.s32 $0x80, s26;
	s30 =	smov.u32 s28;
	v29 =	vmul.f32 v21, v21;
	v30 =	vadd.f32 v30, v35;
	v22 =	vld [tilespmem:s25+$0x40C0];
	[tilespmem:s25+$0x490] =	vst v31;
	v31 =	vadd.f32 v34, v32  }
0xa9: {  	_ = 	snop  }
0xaa: {  	v32 =	vmul.f32 v14, v14;
	v15 =	vadd.f32 v15, v31  }
0xab: {  	v46 =	vld [tilespmem:s25+$0xC0]  }
0xac: {  	v15 =	vadd.f32 v32, v15  }
0xad: {  	v47 =	vld [tilespmem:s25+$0xD0]  }
0xae: {  	v15 =	vadd.f32 v26, v15;
	_ =	sdelay $0x1  }
0xaf: {  	v19 =	vmul.f32 v19, v19;
	v48 =	vsub.f32 v46, v22;
	v15 =	vadd.f32 v29, v15;
	_ =	sdelay $0x1  }
0xb0: {  	v49 =	vsub.f32 v47, v4;
	v50 =	vmul.f32 v48, v48;
	v15 =	vadd.f32 v19, v15;
	_ =	sdelay $0x1  }
0xb1: {  	v51 =	vmul.f32 v49, v49;
	v15 =	vadd.f32 v50, v15;
	_ =	sdelay $0x1  }
0xb2: {  	v15 =	vadd.f32 v51, v15;
	_ =	sdelay $0x1  }
0xb3: {  	v8 =	vadd.f32 v8, v15  }
0xb4: {  	v52 =	vadd.f32 v27, v16  }
0xb5: {  	v7 =	vadd.f32 v21, v7;
	v8 =	vadd.f32 v9, v8  }
0xb6: {  	v55 =	vsub.f32 v25, v20;
	v58 =	vsub.f32 v28, v3  }
0xb7: {  	[tilespmem:s25+$0x4A0] =	vst v30;
	v53 =	vsub.f32 v17, v23;
	v8 =	vadd.f32 v10, v8  }
0xb8: {  	[tilespmem:s25+$0x90] =	vst v52;
	v59 =	vadd.f32 v55, v20;
	v54 =	vsub.f32 v18, v24  }
0xb9: {  	[tilespmem:s25+$0xA0] =	vst v7;
	v3 =	vadd.f32 v58, v3;
	v8 =	vadd.f32 v11, v8  }
0xba: {  	v56 =	vadd.f32 v53, v23;
	[tilespmem:s25+$0x4C0] =	vst v59  }
0xbb: {  	v60 =	vmul.f32 v12, v12;
	v57 =	vadd.f32 v54, v24;
	[tilespmem:s25+$0x4D0] =	vst v3;
	v8 =	vadd.f32 v13, v8  }
0xbc: {  	v3 =	vadd.f32 v12, v6;
	[tilespmem:s25+$0x4E0] =	vst v56  }
0xbd: {  	[tilespmem:s25+$0x4F0] =	vst v57;
	v4 =	vadd.f32 v49, v4;
	v10 =	vmul.f32 v55, v55;
	v62 =	vadd.f32 v60, v8  }
0xbe: {  	v61 =	vadd.f32 v48, v22;
	[tilespmem:s25+$0x4B0] =	vst v3  }
0xbf: {  	s23 =	sadd.s32 $0x1, s23;
	[tilespmem:s25+$0xD0] =	vst v4;
	v4 =	vadd.f32 v14, v5;
	v5 =	vmul.f32 v58, v58;
	v63 =	vadd.f32 v10, v62  }
0xc0: {  	p0 =	sne.s32 s23, $0x8;
	[tilespmem:s25+$0xC0] =	vst v61  }
.Ltmp1:
0xc1: {  	s24 =	sadd.s32 s5, s24;
	[tilespmem:s25+$0x80] =	vst v4;
	v4 =	vmul.f32 v53, v53;
	v3 =	vadd.f32 v5, v63;
	(pc) =	sbr.rel @p0 .LBB2_2-.Ltmp1, $4  }
0xc2: {  	[hbm4b:s24+s6] =	stream.linear.scatter [tilespmem:s11], [sflag:$0x2], $0x4000, $0x38;
	[tilespmem:$0x8100] =	vst v63  }
0xc3: {  	_ =	swait.ge [sflag:s10], $0x4000;
	v5 =	vmul.f32 v54, v54;
	v3 =	vadd.f32 v4, v3  }
0xc4: {  	[sflag:s10] =	ssyncset.done $0x0  }
0xc5: {  	[sflag:s10] =	ssyncadd.s32 $0xFFFFC000;
	v3 =	vadd.f32 v5, v3  }
0xc6: {  	s22 =	sadd.s32 $0x1, s22  }
0xc7: {  	p0 =	sne.s32 s22, s9  }
.Ltmp2:
0xc8: {  	[tilespmem:$0x8080] =	vst v3;
	(pc) =	sbr.rel @p0 .LBB2_1-.Ltmp2, $4  }
0xc9: {  	[hbm4b:s8+s6] =	stream.linear.scatter [tilespmem:s21], [sflag:$0x2], $0x80, $0x38;
	[tilespmem:$0x8100] =	vst v63  }
0xca: {  	_ =	swait.ge [sflag:s10], $0x80  }
0xcb: {  	[sflag:s10] =	ssyncset.done $0x0  }
0xcc: {  	[sflag:s10] =	ssyncadd.s32 $0xFFFFFF80  }
0xcd: {  	_ =	sfence.sel $0x180000  }
0xce: {  	[bflag:$0x0] =	sbarrier.arrive $0xFFFF  }
0xcf: {  	p0 =	sne.s32 s4, $0x0;
	_ =	strace $0x90000047  }
0xd0: {  	s0 =	sadd.s32 @!p0 $0x100000, s0;
	[bflag:$0x2] =	sbarrier.arrive $0xFFFF  }
0xd1: {  	[sflag:s0] =	ssyncadd.tile.s32 @!p0 $0x1;
	_ =	shalt  }
.Lfunc_end2:
_tile_overlayer_lowered:
.L_overlay_start_2:
0xd2: {  	(tag) =	ssettag $0x2  }
0xd3: {  	s0 =	rddreg [dreg:$0x0];
	s2 =	stileid.u32  }
0xd4: {  	s1 =	rddreg [dreg:$0x1];
	p0 =	sne.s32 s2, $0x0  }
0xd5: {  	s3 =	rddreg [dreg:$0x2];
	[bflag:$0x3] =	sbarrier.arrive $0xFFFF;
	s2 =	simm.s32 @!p0 $0x1C02  }
0xd6: {  	[timem:s3], [sflag:s2] =	dma.local @!p0 [hbm:s0], s1  }
0xd7: {  	s0 =	simm.s32 @!p0 $0x2  }
0xd8: {  	_ =	swait.ge @!p0 [sflag:s0], s1  }
0xd9: {  	s1 =	ssub.s32 @!p0 $0x0, s1;
	[sflag:s0] =	ssyncset.done @!p0 $0x0  }
0xda: {  	[sflag:s0] =	ssyncadd.s32 @!p0 s1  }
0xdb: {  	[bflag:$0x3] =	sbarrier.arrive $0xFFFF  }
0xdc: {  	_ =	shalt  }

</sc_bundles>
